<compile_context>
chip_gen: v7x
topology: tpu7x:2x2x1
jax: 0.10.2.dev20260603
libtpu: 0.0.44.dev20260713+nightly
codegen_flags: <defaults>
</compile_context>

<pallas_src>
import functools
import jax
import jax.numpy as jnp
import numpy as np
from jax import lax
from jax.experimental import pallas as pl
from jax.experimental.pallas import tpu as pltpu
from jax.experimental.pallas import tpu_sc as plsc

NUM_G = 4
NUM_M = 2048
NSEG = NUM_G * NUM_M

ROW_BLK = 3136

NC, NS, L = 2, 16, 16
NW = NC * NS

EW = 25088
E_PAD = EW * NW
SLICE = 128
SLICES_PER_W = EW // SLICE
CHUNK = 896
NSLICE = CHUNK // SLICE
NCHUNK = EW // CHUNK
GROUPS = CHUNK // L
HID = 64
CH = 16
ACC_W = 32
SEGP = 8704


def _tables_body(pf_ref, pp_ref, wlT_ref, bl_ref, w0yT_ref, lift_ref, btab_ref):
    lift_ref[...] = pf_ref[...] @ wlT_ref[...] + bl_ref[...]
    btab_ref[...] = pp_ref[...] @ w0yT_ref[...]


def _atab_body(lat_ref, w0xT_ref, b0_ref, atab_ref):
    atab_ref[...] = lat_ref[...] @ w0xT_ref[...] + b0_ref[...]


def _make_tables(phys_pos, phys_feat, latent_tokens, W_lift, b_lift, W0, b0):
    n_phys = phys_pos.shape[0]
    n_pad = ((n_phys + ROW_BLK - 1) // ROW_BLK) * ROW_BLK
    pf = jnp.pad(phys_feat, ((0, n_pad - n_phys), (0, 0)))
    pp = jnp.pad(phys_pos, ((0, n_pad - n_phys), (0, 0)))
    in_ch = phys_feat.shape[1]
    lift_ch = W_lift.shape[0]
    hid = W0.shape[0]
    cdim = phys_pos.shape[1]
    grid = n_pad // ROW_BLK
    lifted, btab = pl.pallas_call(
        _tables_body,
        grid=(grid,),
        in_specs=[
            pl.BlockSpec((ROW_BLK, in_ch), lambda i: (i, 0)),
            pl.BlockSpec((ROW_BLK, cdim), lambda i: (i, 0)),
            pl.BlockSpec((in_ch, lift_ch), lambda i: (0, 0)),
            pl.BlockSpec((1, lift_ch), lambda i: (0, 0)),
            pl.BlockSpec((cdim, hid), lambda i: (0, 0)),
        ],
        out_specs=[
            pl.BlockSpec((ROW_BLK, lift_ch), lambda i: (i, 0)),
            pl.BlockSpec((ROW_BLK, hid), lambda i: (i, 0)),
        ],
        out_shape=[
            jax.ShapeDtypeStruct((n_pad, lift_ch), jnp.float32),
            jax.ShapeDtypeStruct((n_pad, hid), jnp.float32),
        ],
    )(pf, pp, W_lift.T, b_lift.reshape(1, -1), W0[:, cdim:].T)

    lat_b = jnp.tile(latent_tokens, (NUM_G, 1))
    atab = pl.pallas_call(
        _atab_body,
        out_shape=jax.ShapeDtypeStruct((NSEG, hid), jnp.float32),
    )(lat_b, W0[:, :cdim].T, b0.reshape(1, -1))
    return lifted, btab, atab


_GELU_C = (3.98838993e-01, -6.64776814e-02, 9.87223839e-03, -1.10236551e-03,
           8.79412198e-05, -4.63825458e-06, 1.42493517e-07, -1.90966946e-09)


def _gelu16(z):
    c = [jnp.float32(v) for v in _GELU_C]
    t = jnp.clip(z, -4.0, 4.0)
    u = t * t
    u2 = u * u
    u4 = u2 * u2
    q01 = c[0] + c[1] * u
    q23 = c[2] + c[3] * u
    q45 = c[4] + c[5] * u
    q67 = c[6] + c[7] * u
    qa = q01 + q23 * u2
    qb = q45 + q67 * u2
    q = qa + qb * u4
    return z * (0.5 + t * q)


def _edge_body(src_hbm, dst_hbm, atab, btab, lift, w1_hbm, b1_hbm, out_hbm,
               idx_src, idx_dst, abuf, lbuf, mbuf, w1v, b1v,
               acc, sem):
    cid = lax.axis_index("c")
    sid = lax.axis_index("s")
    wid = sid * NC + cid

    pltpu.sync_copy(w1_hbm, w1v)
    pltpu.sync_copy(b1_hbm, b1v)

    lanes = lax.iota(jnp.int32, L)
    zero16 = jnp.zeros((L,), jnp.float32)

    def _zero_row(r, _):
        mbuf[r, pl.ds(0, L)] = zero16
        mbuf[r, pl.ds(L, L)] = zero16
        return 0
    lax.fori_loop(0, CHUNK, _zero_row, 0)

    zblk = SEGP // NS
    pltpu.sync_copy(mbuf.at[pl.ds(0, zblk)], acc.at[pl.ds(sid * zblk, zblk)])

    plsc.subcore_barrier()

    cnt_row = jnp.where(lanes == 0, 1.0, 0.0).astype(jnp.float32)

    def _cnt_row(r, _):
        mbuf[r, pl.ds(L, L)] = cnt_row
        return 0
    lax.fori_loop(0, CHUNK, _cnt_row, 0)

    def _chunk(ch, _):
        base = wid * SLICES_PER_W + ch * NSLICE
        pltpu.sync_copy(src_hbm.at[pl.ds(base, NSLICE)], idx_src)
        pltpu.sync_copy(dst_hbm.at[pl.ds(base, NSLICE)], idx_dst)

        descs = []
        for j in range(NSLICE):
            sl = pl.ds(j * SLICE, SLICE)
            descs.append(pltpu.async_copy(atab.at[idx_dst.at[j]], abuf.at[sl], sem))
            descs.append(pltpu.async_copy(lift.at[idx_src.at[j]], lbuf.at[sl], sem))
        for d in descs:
            d.wait()
        descs = []
        for j in range(NSLICE):
            sl = pl.ds(j * SLICE, SLICE)
            descs.append(pltpu.async_copy(btab.at[idx_src.at[j]], abuf.at[sl],
                                          sem, add=True))
        for d in descs:
            d.wait()

        b1row = b1v[...]

        def _group(g):
            eids = g * L + lanes

            def _hid_step(i, kacc):
                ii = jnp.full((L,), i, jnp.int32)
                z = plsc.load_gather(abuf, [eids, ii])
                h = _gelu16(z)
                wrow = w1v[pl.ds(i * CH, CH)]
                return tuple(kacc[c] + wrow[c] * h for c in range(CH))

            kacc0 = tuple(jnp.full((L,), 0.0, jnp.float32) + b1row[c]
                          for c in range(CH))
            kacc = plsc.parallel_loop(0, HID, carry=kacc0, unroll=2)(_hid_step)

            for c in range(CH):
                cc = jnp.full((L,), c, jnp.int32)
                lv = plsc.load_gather(lbuf, [eids, cc])
                plsc.store_scatter(mbuf, [eids, cc], kacc[c] * lv)

        plsc.parallel_loop(0, GROUPS)(_group)

        for j in range(NSLICE):
            sl = pl.ds(j * SLICE, SLICE)
            pltpu.sync_copy(mbuf.at[sl], acc.at[idx_dst.at[j]], add=True)
        return 0

    lax.fori_loop(0, NCHUNK, _chunk, 0)

    plsc.subcore_barrier()

    @pl.when(sid == 0)
    def _():
        pltpu.sync_copy(acc, out_hbm.at[cid])


def _run_edges(src2d, dst2d, atab, btab, lifted, W1, b1):
    mesh = plsc.VectorSubcoreMesh(core_axis_name="c", subcore_axis_name="s")
    f = pl.kernel(
        _edge_body,
        out_type=jax.ShapeDtypeStruct((NC, SEGP, ACC_W), jnp.float32),
        mesh=mesh,
        compiler_params=pltpu.CompilerParams(
            needs_layout_passes=False, use_tc_tiling_on_sc=False),
        scratch_types=[
            pltpu.VMEM((NSLICE, SLICE), jnp.int32),
            pltpu.VMEM((NSLICE, SLICE), jnp.int32),
            pltpu.VMEM((CHUNK, HID), jnp.float32),
            pltpu.VMEM((CHUNK, CH), jnp.float32),
            pltpu.VMEM((CHUNK, ACC_W), jnp.float32),
            pltpu.VMEM((HID * CH,), jnp.float32),
            pltpu.VMEM((CH,), jnp.float32),
            pltpu.VMEM_SHARED((SEGP, ACC_W), jnp.float32),
            pltpu.SemaphoreType.DMA,
        ],
    )
    return f(src2d, dst2d, atab, btab, lifted,
             W1.T.reshape(-1), b1)


def _combine_body(p_ref, o_ref):
    p = p_ref[0] + p_ref[1]
    msg = p[:NSEG, :CH]
    cnt = p[:NSEG, CH:CH + 1]
    o_ref[...] = msg / jnp.clip(cnt, 1.0, None)


def kernel(phys_pos, phys_feat, latent_tokens, edge_src, edge_dst,
           W_lift, b_lift, W0, b0, W1, b1):
    lifted, btab, atab = _make_tables(
        phys_pos, phys_feat, latent_tokens, W_lift, b_lift, W0, b0)
    atab = jnp.pad(atab, ((0, SEGP - NSEG), (0, 0)))

    e = edge_src.shape[0]
    src2d = jnp.pad(edge_src, (0, E_PAD - e)).reshape(-1, SLICE)
    dst2d = jnp.pad(edge_dst, (0, E_PAD - e),
                    constant_values=NSEG).reshape(-1, SLICE)

    partials = _run_edges(src2d, dst2d, atab, btab, lifted, W1, b1)

    out = pl.pallas_call(
        _combine_body,
        out_shape=jax.ShapeDtypeStruct((NSEG, CH), jnp.float32),
    )(partials)
    return out.reshape(NUM_G, NUM_M, CH)

# --- scband reference (transcript-rebuilt; emitter-appended) ---
"""Pipeline reference for scband-gnoencoder-39307540693913 (READ-ONLY COPY).

The authoritative reference and input builder live on the scoring server;
editing this copy changes nothing except your own understanding.
"""

import jax, jax.numpy as jnp
import numpy as np

NUM_GRAPHS = 4
NUM_LATENT = 2048
N_PHYS = 50000
N_EDGES = 800000
IN_CH = 128
LIFT_CH = 16
COORD_DIM = 3
HID = 64


def setup_inputs(seed: int = 0) -> dict:
    key = jax.random.key(seed)
    ks = jax.random.split(key, 12)
    phys_pos = jax.random.uniform(ks[0], (N_PHYS, COORD_DIM), dtype=jnp.float32)
    phys_feat = jax.random.normal(ks[1], (N_PHYS, IN_CH), dtype=jnp.float32)
    latent_tokens = jax.random.uniform(ks[2], (NUM_LATENT, COORD_DIM), dtype=jnp.float32)
    edge_src = jax.random.randint(ks[3], (N_EDGES,), 0, N_PHYS, dtype=jnp.int64) if jax.config.jax_enable_x64 else jax.random.randint(ks[3], (N_EDGES,), 0, N_PHYS).astype(jnp.int32)
    edge_dst = jax.random.randint(ks[4], (N_EDGES,), 0, NUM_GRAPHS * NUM_LATENT).astype(jnp.int32)
    edge_src = edge_src.astype(jnp.int32)
    # lifting: ChannelMLP(in_channels=128, out_channels=16, n_layers=1) == pointwise linear
    W_lift = jax.random.normal(ks[5], (LIFT_CH, IN_CH), dtype=jnp.float32) * (1.0 / np.sqrt(IN_CH))
    b_lift = jnp.zeros((LIFT_CH,), dtype=jnp.float32)
    # kernel MLP layers: [coord_dim*2, 64, lifting_channels] = [6, 64, 16]
    W0 = jax.random.normal(ks[6], (HID, 2 * COORD_DIM), dtype=jnp.float32) * (1.0 / np.sqrt(2 * COORD_DIM))
    b0 = jnp.zeros((HID,), dtype=jnp.float32)
    W1 = jax.random.normal(ks[7], (LIFT_CH, HID), dtype=jnp.float32) * (1.0 / np.sqrt(HID))
    b1 = jnp.zeros((LIFT_CH,), dtype=jnp.float32)
    return {"phys_pos": phys_pos, "phys_feat": phys_feat, "latent_tokens": latent_tokens,
            "edge_src": edge_src, "edge_dst": edge_dst,
            "W_lift": W_lift, "b_lift": b_lift, "W0": W0, "b0": b0, "W1": W1, "b1": b1}


def reference(phys_pos, phys_feat, latent_tokens, edge_src, edge_dst, W_lift, b_lift, W0, b0, W1, b1):
    # lifting (pointwise linear over channels)
    lifted = phys_feat @ W_lift.T + b_lift  # [N_phys, 16]
    # latent_tokens.repeat(num_graphs, 1)
    lat_batched = jnp.tile(latent_tokens, (NUM_GRAPHS, 1))  # [G*M, 3]
    # integral transform, transform_type='linear': k(x_i, y_j) * f(y_j), mean over neighbors
    x_i = lat_batched[edge_dst]          # gather [E, 3]
    y_j = phys_pos[edge_src]             # gather [E, 3]
    kin = jnp.concatenate([x_i, y_j], axis=-1)  # [E, 6]
    h = jax.nn.gelu(kin @ W0.T + b0)
    k = h @ W1.T + b1                    # [E, 16]
    msg = k * lifted[edge_src]           # gather + elementwise [E, 16]
    n_seg = NUM_GRAPHS * NUM_LATENT
    agg = jax.ops.segment_sum(msg, edge_dst, num_segments=n_seg)          # scatter-add
    cnt = jax.ops.segment_sum(jnp.ones((msg.shape[0], 1), jnp.float32), edge_dst, num_segments=n_seg)
    out = agg / jnp.clip(cnt, 1.0, None)  # mean aggregation
    encoded = out.reshape(NUM_GRAPHS, NUM_LATENT, LIFT_CH)
    return encoded


if False:  # reference __main__ guard neutralized (emitter)
    inp = setup_inputs()
    o = reference(**inp)
    print(o.shape)

if __name__ == "__main__":
    import jax
    _d = setup_inputs()
    print(jax.jit(kernel)(*tuple(_d.values())))

</pallas_src>

<mosaic_0001>
#map = affine_map<(d0, d1) -> (0, 0)>
#map1 = affine_map<(d0, d1) -> (0)>
#map2 = affine_map<(d0, d1) -> (0, 0, 0)>
module attributes {stable_mosaic.version = 14 : i64} {
  func.func @_edge_body(%arg0: i32, %arg1: i32, %arg2: memref<6272x128xi32, #tpu.memory_space<hbm>>, %arg3: memref<6272x128xi32, #tpu.memory_space<hbm>>, %arg4: memref<8704x64xf32, #tpu.memory_space<hbm>>, %arg5: memref<50176x64xf32, #tpu.memory_space<hbm>>, %arg6: memref<50176x16xf32, #tpu.memory_space<hbm>>, %arg7: memref<1024xf32, #tpu.memory_space<hbm>>, %arg8: memref<16xf32, #tpu.memory_space<hbm>>, %arg9: memref<2x8704x32xf32, #tpu.memory_space<hbm>>, %arg10: memref<7x128xi32, #tpu.memory_space<vmem>>, %arg11: memref<7x128xi32, #tpu.memory_space<vmem>>, %arg12: memref<896x64xf32, #tpu.memory_space<vmem>>, %arg13: memref<896x16xf32, #tpu.memory_space<vmem>>, %arg14: memref<896x32xf32, #tpu.memory_space<vmem>>, %arg15: memref<1024xf32, #tpu.memory_space<vmem>>, %arg16: memref<16xf32, #tpu.memory_space<vmem>>, %arg17: memref<8704x32xf32, #tpu.memory_space<vmem_shared>>, %arg18: memref<!tpu.dma_semaphore, #tpu.memory_space<semaphore_mem>>) attributes {dimension_semantics = [#tpu.dimension_semantics<core_parallel>, #tpu.dimension_semantics<subcore_parallel>], iteration_bounds = array<i64: 2, 16>, scalar_prefetch = 0 : i64, scratch_operands = 9 : i64, tpu.core_type = #tpu.core_type<sc_vector_subcore>, window_params = [{transform_indices = #map}, {transform_indices = #map}, {transform_indices = #map}, {transform_indices = #map}, {transform_indices = #map}, {transform_indices = #map1}, {transform_indices = #map1}, {transform_indices = #map2}]} {
    %mul3A = arith.constant 2 : i32
    %mul3A_0 = arith.muli %arg1, %mul3A : i32
    %add3A = arith.addi %mul3A_0, %arg0 : i32
    "tpu.region"() ({
      %run_scoped3A = tpu.sem_alloc : memref<!tpu.dma_semaphore, #tpu.memory_space<semaphore_mem>>
      tpu.enqueue_dma source(%arg7 : memref<1024xf32, #tpu.memory_space<hbm>>) target(%arg15 : memref<1024xf32, #tpu.memory_space<vmem>>) target_semaphore(%run_scoped3A : memref<!tpu.dma_semaphore, #tpu.memory_space<semaphore_mem>>)
      tpu.wait_dma2 semaphore(%run_scoped3A : memref<!tpu.dma_semaphore, #tpu.memory_space<semaphore_mem>>) src(%arg7 : memref<1024xf32, #tpu.memory_space<hbm>>) dst(%arg15 : memref<1024xf32, #tpu.memory_space<vmem>>)
      tpu.yield
    }) : () -> ()
    "tpu.region"() ({
      %run_scoped3A = tpu.sem_alloc : memref<!tpu.dma_semaphore, #tpu.memory_space<semaphore_mem>>
      tpu.enqueue_dma source(%arg8 : memref<16xf32, #tpu.memory_space<hbm>>) target(%arg16 : memref<16xf32, #tpu.memory_space<vmem>>) target_semaphore(%run_scoped3A : memref<!tpu.dma_semaphore, #tpu.memory_space<semaphore_mem>>)
      tpu.wait_dma2 semaphore(%run_scoped3A : memref<!tpu.dma_semaphore, #tpu.memory_space<semaphore_mem>>) src(%arg8 : memref<16xf32, #tpu.memory_space<hbm>>) dst(%arg16 : memref<16xf32, #tpu.memory_space<vmem>>)
      tpu.yield
    }) : () -> ()
    %iota3A = tpu.iota {dimensions = array<i32: 0>} : vector<16xi32>
    %broadcast_in_dim3A = arith.constant 0.000000e+00 : f32
    %broadcast_in_dim3A_1 = vector.broadcast %broadcast_in_dim3A : f32 to vector<16xf32>
    %scan3A = arith.constant 0 : i32
    %scan3A_2 = arith.constant 0 : i32
    %scan3A_3 = arith.constant 896 : i32
    %scan3A_4 = arith.addi %scan3A_2, %scan3A_3 : i32
    %scan3A_5 = arith.constant 1 : i32
    %scan3A_6 = scf.for %scan3A_33 = %scan3A_2 to %scan3A_4 step %scan3A_5 iter_args(%scan3A_34 = %scan3A) -> (i32)  : i32 {
      %swap3A = arith.index_cast %scan3A_33 : i32 to index
      %swap3A_35 = arith.constant 0 : index
      %swap3A_36 = tpu.vector_load %arg14[%swap3A, %swap3A_35] {strides = array<i32>} : memref<896x32xf32, #tpu.memory_space<vmem>>, vector<16xf32>,
      tpu.vector_store %arg14[%swap3A, %swap3A_35], %broadcast_in_dim3A_1 {strides = array<i32>} : memref<896x32xf32, #tpu.memory_space<vmem>>, vector<16xf32>,
      %swap3A_37 = arith.index_cast %scan3A_33 : i32 to index
      %swap3A_38 = arith.constant 16 : index
      %swap3A_39 = tpu.vector_load %arg14[%swap3A_37, %swap3A_38] {strides = array<i32>} : memref<896x32xf32, #tpu.memory_space<vmem>>, vector<16xf32>,
      tpu.vector_store %arg14[%swap3A_37, %swap3A_38], %broadcast_in_dim3A_1 {strides = array<i32>} : memref<896x32xf32, #tpu.memory_space<vmem>>, vector<16xf32>,
      %scan3A_40 = arith.constant 0 : i32
      scf.yield %scan3A_40 : i32
    }
    %scan3A_7 = arith.constant 896 : i32
    %mul3A_8 = arith.constant 544 : i32
    %mul3A_9 = arith.muli %arg1, %mul3A_8 : i32
    "tpu.region"() ({
      %run_scoped3A = tpu.sem_alloc : memref<!tpu.dma_semaphore, #tpu.memory_space<semaphore_mem>>
      %dma_start3A = arith.constant 0 : i32
      %dma_start3A_33 = arith.constant 0 : i32
      %dma_start3A_34 = tpu.memref_slice %arg14[%dma_start3A, %dma_start3A_33] : memref<896x32xf32, #tpu.memory_space<vmem>> -> memref<544x32xf32, #tpu.memory_space<vmem>>
      %dma_start3A_35 = arith.constant 0 : i32
      %dma_start3A_36 = tpu.memref_slice %arg17[%mul3A_9, %dma_start3A_35] : memref<8704x32xf32, #tpu.memory_space<vmem_shared>> -> memref<544x32xf32, #tpu.memory_space<vmem_shared>>
      %dma_start3A_37 = arith.constant 0 : i32
      %dma_start3A_38 = tpu.memref_slice %arg17[%mul3A_9, %dma_start3A_37] : memref<8704x32xf32, #tpu.memory_space<vmem_shared>> -> memref<544x32xf32, #tpu.memory_space<vmem_shared>>
      %dma_start3A_39 = arith.constant 0 : i32
      %dma_start3A_40 = arith.constant 0 : i32
      %dma_start3A_41 = tpu.memref_slice %arg14[%dma_start3A_39, %dma_start3A_40] : memref<896x32xf32, #tpu.memory_space<vmem>> -> memref<544x32xf32, #tpu.memory_space<vmem>>
      tpu.enqueue_dma source(%dma_start3A_41 : memref<544x32xf32, #tpu.memory_space<vmem>>) target(%dma_start3A_38 : memref<544x32xf32, #tpu.memory_space<vmem_shared>>) target_semaphore(%run_scoped3A : memref<!tpu.dma_semaphore, #tpu.memory_space<semaphore_mem>>)
      %dma_wait3A = arith.constant 0 : i32
      %dma_wait3A_42 = arith.constant 0 : i32
      %dma_wait3A_43 = tpu.memref_slice %arg14[%dma_wait3A, %dma_wait3A_42] : memref<896x32xf32, #tpu.memory_space<vmem>> -> memref<544x32xf32, #tpu.memory_space<vmem>>
      %dma_wait3A_44 = arith.constant 0 : i32
      %dma_wait3A_45 = tpu.memref_slice %arg17[%mul3A_9, %dma_wait3A_44] : memref<8704x32xf32, #tpu.memory_space<vmem_shared>> -> memref<544x32xf32, #tpu.memory_space<vmem_shared>>
      %dma_wait3A_46 = arith.constant 0 : i32
      %dma_wait3A_47 = tpu.memref_slice %arg17[%mul3A_9, %dma_wait3A_46] : memref<8704x32xf32, #tpu.memory_space<vmem_shared>> -> memref<544x32xf32, #tpu.memory_space<vmem_shared>>
      %dma_wait3A_48 = arith.constant 0 : i32
      %dma_wait3A_49 = arith.constant 0 : i32
      %dma_wait3A_50 = tpu.memref_slice %arg14[%dma_wait3A_48, %dma_wait3A_49] : memref<896x32xf32, #tpu.memory_space<vmem>> -> memref<544x32xf32, #tpu.memory_space<vmem>>
      tpu.wait_dma2 semaphore(%run_scoped3A : memref<!tpu.dma_semaphore, #tpu.memory_space<semaphore_mem>>) src(%dma_wait3A_50 : memref<544x32xf32, #tpu.memory_space<vmem>>) dst(%dma_wait3A_47 : memref<544x32xf32, #tpu.memory_space<vmem_shared>>)
      tpu.yield
    }) : () -> ()
    %barrier3A = arith.constant 0 : index
    tpu.barrier barrier_id(%barrier3A)
    %eq3A = arith.constant 0 : i32
    %eq3A_10 = vector.broadcast %eq3A : i32 to vector<16xi32>
    %eq3A_11 = arith.cmpi eq, %iota3A, %eq3A_10 : vector<16xi32>
    %jit3A = arith.constant 1.000000e+00 : f32
    %jit3A_12 = arith.constant 0.000000e+00 : f32
    %broadcast_in_dim3A_13 = vector.broadcast %jit3A : f32 to vector<16xf32>
    %broadcast_in_dim3A_14 = vector.broadcast %jit3A_12 : f32 to vector<16xf32>
    %select_n3A = arith.select %eq3A_11, %broadcast_in_dim3A_13, %broadcast_in_dim3A_14 : vector<16xi1>, vector<16xf32>
    %scan3A_15 = arith.constant 0 : i32
    %scan3A_16 = arith.constant 0 : i32
    %scan3A_17 = arith.constant 896 : i32
    %scan3A_18 = arith.addi %scan3A_16, %scan3A_17 : i32
    %scan3A_19 = arith.constant 1 : i32
    %scan3A_20 = scf.for %scan3A_33 = %scan3A_16 to %scan3A_18 step %scan3A_19 iter_args(%scan3A_34 = %scan3A_15) -> (i32)  : i32 {
      %swap3A = arith.index_cast %scan3A_33 : i32 to index
      %swap3A_35 = arith.constant 16 : index
      %swap3A_36 = tpu.vector_load %arg14[%swap3A, %swap3A_35] {strides = array<i32>} : memref<896x32xf32, #tpu.memory_space<vmem>>, vector<16xf32>,
      tpu.vector_store %arg14[%swap3A, %swap3A_35], %select_n3A {strides = array<i32>} : memref<896x32xf32, #tpu.memory_space<vmem>>, vector<16xf32>,
      %scan3A_37 = arith.constant 0 : i32
      scf.yield %scan3A_37 : i32
    }
    %scan3A_21 = arith.constant 896 : i32
    %scan3A_22 = arith.constant 0 : i32
    %scan3A_23 = arith.constant 0 : i32
    %scan3A_24 = arith.constant 28 : i32
    %scan3A_25 = arith.addi %scan3A_23, %scan3A_24 : i32
    %scan3A_26 = arith.constant 1 : i32
    %scan3A_27 = scf.for %scan3A_33 = %scan3A_23 to %scan3A_25 step %scan3A_26 iter_args(%scan3A_34 = %scan3A_22) -> (i32)  : i32 {
      %mul3A_35 = arith.constant 196 : i32
      %mul3A_36 = arith.muli %add3A, %mul3A_35 : i32
      %mul3A_37 = arith.constant 7 : i32
      %mul3A_38 = arith.muli %scan3A_33, %mul3A_37 : i32
      %add3A_39 = arith.addi %mul3A_36, %mul3A_38 : i32
      "tpu.region"() ({
        %run_scoped3A_468 = tpu.sem_alloc : memref<!tpu.dma_semaphore, #tpu.memory_space<semaphore_mem>>
        %dma_start3A_469 = arith.constant 0 : i32
        %dma_start3A_470 = tpu.memref_slice %arg2[%add3A_39, %dma_start3A_469] : memref<6272x128xi32, #tpu.memory_space<hbm>> -> memref<7x128xi32, #tpu.memory_space<hbm>>
        %dma_start3A_471 = arith.constant 0 : i32
        %dma_start3A_472 = tpu.memref_slice %arg2[%add3A_39, %dma_start3A_471] : memref<6272x128xi32, #tpu.memory_space<hbm>> -> memref<7x128xi32, #tpu.memory_space<hbm>>
        tpu.enqueue_dma source(%dma_start3A_472 : memref<7x128xi32, #tpu.memory_space<hbm>>) target(%arg10 : memref<7x128xi32, #tpu.memory_space<vmem>>) target_semaphore(%run_scoped3A_468 : memref<!tpu.dma_semaphore, #tpu.memory_space<semaphore_mem>>)
        %dma_wait3A_473 = arith.constant 0 : i32
        %dma_wait3A_474 = tpu.memref_slice %arg2[%add3A_39, %dma_wait3A_473] : memref<6272x128xi32, #tpu.memory_space<hbm>> -> memref<7x128xi32, #tpu.memory_space<hbm>>
        %dma_wait3A_475 = arith.constant 0 : i32
        %dma_wait3A_476 = tpu.memref_slice %arg2[%add3A_39, %dma_wait3A_475] : memref<6272x128xi32, #tpu.memory_space<hbm>> -> memref<7x128xi32, #tpu.memory_space<hbm>>
        tpu.wait_dma2 semaphore(%run_scoped3A_468 : memref<!tpu.dma_semaphore, #tpu.memory_space<semaphore_mem>>) src(%dma_wait3A_476 : memref<7x128xi32, #tpu.memory_space<hbm>>) dst(%arg10 : memref<7x128xi32, #tpu.memory_space<vmem>>)
        tpu.yield
      }) : () -> ()
      "tpu.region"() ({
        %run_scoped3A_468 = tpu.sem_alloc : memref<!tpu.dma_semaphore, #tpu.memory_space<semaphore_mem>>
        %dma_start3A_469 = arith.constant 0 : i32
        %dma_start3A_470 = tpu.memref_slice %arg3[%add3A_39, %dma_start3A_469] : memref<6272x128xi32, #tpu.memory_space<hbm>> -> memref<7x128xi32, #tpu.memory_space<hbm>>
        %dma_start3A_471 = arith.constant 0 : i32
        %dma_start3A_472 = tpu.memref_slice %arg3[%add3A_39, %dma_start3A_471] : memref<6272x128xi32, #tpu.memory_space<hbm>> -> memref<7x128xi32, #tpu.memory_space<hbm>>
        tpu.enqueue_dma source(%dma_start3A_472 : memref<7x128xi32, #tpu.memory_space<hbm>>) target(%arg11 : memref<7x128xi32, #tpu.memory_space<vmem>>) target_semaphore(%run_scoped3A_468 : memref<!tpu.dma_semaphore, #tpu.memory_space<semaphore_mem>>)
        %dma_wait3A_473 = arith.constant 0 : i32
        %dma_wait3A_474 = tpu.memref_slice %arg3[%add3A_39, %dma_wait3A_473] : memref<6272x128xi32, #tpu.memory_space<hbm>> -> memref<7x128xi32, #tpu.memory_space<hbm>>
        %dma_wait3A_475 = arith.constant 0 : i32
        %dma_wait3A_476 = tpu.memref_slice %arg3[%add3A_39, %dma_wait3A_475] : memref<6272x128xi32, #tpu.memory_space<hbm>> -> memref<7x128xi32, #tpu.memory_space<hbm>>
        tpu.wait_dma2 semaphore(%run_scoped3A_468 : memref<!tpu.dma_semaphore, #tpu.memory_space<semaphore_mem>>) src(%dma_wait3A_476 : memref<7x128xi32, #tpu.memory_space<hbm>>) dst(%arg11 : memref<7x128xi32, #tpu.memory_space<vmem>>)
        tpu.yield
      }) : () -> ()
      %dma_start3A = arith.constant 0 : i32
      %dma_start3A_40 = arith.constant 0 : i32
      %dma_start3A_41 = arith.constant 0 : i32
      %dma_start3A_42 = tpu.memref_slice %arg12[%dma_start3A_40, %dma_start3A_41] : memref<896x64xf32, #tpu.memory_space<vmem>> -> memref<128x64xf32, #tpu.memory_space<vmem>>
      %dma_start3A_43 = arith.constant 0 : i32
      %dma_start3A_44 = tpu.memref_slice %arg11[%dma_start3A, %dma_start3A_43] : memref<7x128xi32, #tpu.memory_space<vmem>> -> memref<1x128xi32, #tpu.memory_space<vmem>>
      %dma_start3A_45 = tpu.memref_squeeze %dma_start3A_44 : memref<1x128xi32, #tpu.memory_space<vmem>> -> memref<128xi32, #tpu.memory_space<vmem>>
      %dma_start3A_46 = arith.constant 0 : i32
      %dma_start3A_47 = arith.constant 0 : i32
      %dma_start3A_48 = tpu.memref_slice %arg4[%dma_start3A_46, %dma_start3A_47] : memref<8704x64xf32, #tpu.memory_space<hbm>> -> memref<8704x64xf32, #tpu.memory_space<hbm>>
      tpu.enqueue_indirect_dma source(%dma_start3A_48 : memref<8704x64xf32, #tpu.memory_space<hbm>>) target(%dma_start3A_42 : memref<128x64xf32, #tpu.memory_space<vmem>>) offsets(%dma_start3A_45 : memref<128xi32, #tpu.memory_space<vmem>>) semaphore(%arg18 : memref<!tpu.dma_semaphore, #tpu.memory_space<semaphore_mem>>)
      %dma_start3A_49 = arith.constant 0 : i32
      %dma_start3A_50 = arith.constant 0 : i32
      %dma_start3A_51 = arith.constant 0 : i32
      %dma_start3A_52 = tpu.memref_slice %arg13[%dma_start3A_50, %dma_start3A_51] : memref<896x16xf32, #tpu.memory_space<vmem>> -> memref<128x16xf32, #tpu.memory_space<vmem>>
      %dma_start3A_53 = arith.constant 0 : i32
      %dma_start3A_54 = tpu.memref_slice %arg10[%dma_start3A_49, %dma_start3A_53] : memref<7x128xi32, #tpu.memory_space<vmem>> -> memref<1x128xi32, #tpu.memory_space<vmem>>
      %dma_start3A_55 = tpu.memref_squeeze %dma_start3A_54 : memref<1x128xi32, #tpu.memory_space<vmem>> -> memref<128xi32, #tpu.memory_space<vmem>>
      %dma_start3A_56 = arith.constant 0 : i32
      %dma_start3A_57 = arith.constant 0 : i32
      %dma_start3A_58 = tpu.memref_slice %arg6[%dma_start3A_56, %dma_start3A_57] : memref<50176x16xf32, #tpu.memory_space<hbm>> -> memref<50176x16xf32, #tpu.memory_space<hbm>>
      tpu.enqueue_indirect_dma source(%dma_start3A_58 : memref<50176x16xf32, #tpu.memory_space<hbm>>) target(%dma_start3A_52 : memref<128x16xf32, #tpu.memory_space<vmem>>) offsets(%dma_start3A_55 : memref<128xi32, #tpu.memory_space<vmem>>) semaphore(%arg18 : memref<!tpu.dma_semaphore, #tpu.memory_space<semaphore_mem>>)
      %dma_start3A_59 = arith.constant 1 : i32
      %dma_start3A_60 = arith.constant 128 : i32
      %dma_start3A_61 = arith.constant 0 : i32
      %dma_start3A_62 = tpu.memref_slice %arg12[%dma_start3A_60, %dma_start3A_61] : memref<896x64xf32, #tpu.memory_space<vmem>> -> memref<128x64xf32, #tpu.memory_space<vmem>>
      %dma_start3A_63 = arith.constant 0 : i32
      %dma_start3A_64 = tpu.memref_slice %arg11[%dma_start3A_59, %dma_start3A_63] : memref<7x128xi32, #tpu.memory_space<vmem>> -> memref<1x128xi32, #tpu.memory_space<vmem>>
      %dma_start3A_65 = tpu.memref_squeeze %dma_start3A_64 : memref<1x128xi32, #tpu.memory_space<vmem>> -> memref<128xi32, #tpu.memory_space<vmem>>
      %dma_start3A_66 = arith.constant 0 : i32
      %dma_start3A_67 = arith.constant 0 : i32
      %dma_start3A_68 = tpu.memref_slice %arg4[%dma_start3A_66, %dma_start3A_67] : memref<8704x64xf32, #tpu.memory_space<hbm>> -> memref<8704x64xf32, #tpu.memory_space<hbm>>
      tpu.enqueue_indirect_dma source(%dma_start3A_68 : memref<8704x64xf32, #tpu.memory_space<hbm>>) target(%dma_start3A_62 : memref<128x64xf32, #tpu.memory_space<vmem>>) offsets(%dma_start3A_65 : memref<128xi32, #tpu.memory_space<vmem>>) semaphore(%arg18 : memref<!tpu.dma_semaphore, #tpu.memory_space<semaphore_mem>>)
      %dma_start3A_69 = arith.constant 1 : i32
      %dma_start3A_70 = arith.constant 128 : i32
      %dma_start3A_71 = arith.constant 0 : i32
      %dma_start3A_72 = tpu.memref_slice %arg13[%dma_start3A_70, %dma_start3A_71] : memref<896x16xf32, #tpu.memory_space<vmem>> -> memref<128x16xf32, #tpu.memory_space<vmem>>
      %dma_start3A_73 = arith.constant 0 : i32
      %dma_start3A_74 = tpu.memref_slice %arg10[%dma_start3A_69, %dma_start3A_73] : memref<7x128xi32, #tpu.memory_space<vmem>> -> memref<1x128xi32, #tpu.memory_space<vmem>>
      %dma_start3A_75 = tpu.memref_squeeze %dma_start3A_74 : memref<1x128xi32, #tpu.memory_space<vmem>> -> memref<128xi32, #tpu.memory_space<vmem>>
      %dma_start3A_76 = arith.constant 0 : i32
      %dma_start3A_77 = arith.constant 0 : i32
      %dma_start3A_78 = tpu.memref_slice %arg6[%dma_start3A_76, %dma_start3A_77] : memref<50176x16xf32, #tpu.memory_space<hbm>> -> memref<50176x16xf32, #tpu.memory_space<hbm>>
      tpu.enqueue_indirect_dma source(%dma_start3A_78 : memref<50176x16xf32, #tpu.memory_space<hbm>>) target(%dma_start3A_72 : memref<128x16xf32, #tpu.memory_space<vmem>>) offsets(%dma_start3A_75 : memref<128xi32, #tpu.memory_space<vmem>>) semaphore(%arg18 : memref<!tpu.dma_semaphore, #tpu.memory_space<semaphore_mem>>)
      %dma_start3A_79 = arith.constant 2 : i32
      %dma_start3A_80 = arith.constant 256 : i32
      %dma_start3A_81 = arith.constant 0 : i32
      %dma_start3A_82 = tpu.memref_slice %arg12[%dma_start3A_80, %dma_start3A_81] : memref<896x64xf32, #tpu.memory_space<vmem>> -> memref<128x64xf32, #tpu.memory_space<vmem>>
      %dma_start3A_83 = arith.constant 0 : i32
      %dma_start3A_84 = tpu.memref_slice %arg11[%dma_start3A_79, %dma_start3A_83] : memref<7x128xi32, #tpu.memory_space<vmem>> -> memref<1x128xi32, #tpu.memory_space<vmem>>
      %dma_start3A_85 = tpu.memref_squeeze %dma_start3A_84 : memref<1x128xi32, #tpu.memory_space<vmem>> -> memref<128xi32, #tpu.memory_space<vmem>>
      %dma_start3A_86 = arith.constant 0 : i32
      %dma_start3A_87 = arith.constant 0 : i32
      %dma_start3A_88 = tpu.memref_slice %arg4[%dma_start3A_86, %dma_start3A_87] : memref<8704x64xf32, #tpu.memory_space<hbm>> -> memref<8704x64xf32, #tpu.memory_space<hbm>>
      tpu.enqueue_indirect_dma source(%dma_start3A_88 : memref<8704x64xf32, #tpu.memory_space<hbm>>) target(%dma_start3A_82 : memref<128x64xf32, #tpu.memory_space<vmem>>) offsets(%dma_start3A_85 : memref<128xi32, #tpu.memory_space<vmem>>) semaphore(%arg18 : memref<!tpu.dma_semaphore, #tpu.memory_space<semaphore_mem>>)
      %dma_start3A_89 = arith.constant 2 : i32
      %dma_start3A_90 = arith.constant 256 : i32
      %dma_start3A_91 = arith.constant 0 : i32
      %dma_start3A_92 = tpu.memref_slice %arg13[%dma_start3A_90, %dma_start3A_91] : memref<896x16xf32, #tpu.memory_space<vmem>> -> memref<128x16xf32, #tpu.memory_space<vmem>>
      %dma_start3A_93 = arith.constant 0 : i32
      %dma_start3A_94 = tpu.memref_slice %arg10[%dma_start3A_89, %dma_start3A_93] : memref<7x128xi32, #tpu.memory_space<vmem>> -> memref<1x128xi32, #tpu.memory_space<vmem>>
      %dma_start3A_95 = tpu.memref_squeeze %dma_start3A_94 : memref<1x128xi32, #tpu.memory_space<vmem>> -> memref<128xi32, #tpu.memory_space<vmem>>
      %dma_start3A_96 = arith.constant 0 : i32
      %dma_start3A_97 = arith.constant 0 : i32
      %dma_start3A_98 = tpu.memref_slice %arg6[%dma_start3A_96, %dma_start3A_97] : memref<50176x16xf32, #tpu.memory_space<hbm>> -> memref<50176x16xf32, #tpu.memory_space<hbm>>
      tpu.enqueue_indirect_dma source(%dma_start3A_98 : memref<50176x16xf32, #tpu.memory_space<hbm>>) target(%dma_start3A_92 : memref<128x16xf32, #tpu.memory_space<vmem>>) offsets(%dma_start3A_95 : memref<128xi32, #tpu.memory_space<vmem>>) semaphore(%arg18 : memref<!tpu.dma_semaphore, #tpu.memory_space<semaphore_mem>>)
      %dma_start3A_99 = arith.constant 3 : i32
      %dma_start3A_100 = arith.constant 384 : i32
      %dma_start3A_101 = arith.constant 0 : i32
      %dma_start3A_102 = tpu.memref_slice %arg12[%dma_start3A_100, %dma_start3A_101] : memref<896x64xf32, #tpu.memory_space<vmem>> -> memref<128x64xf32, #tpu.memory_space<vmem>>
      %dma_start3A_103 = arith.constant 0 : i32
      %dma_start3A_104 = tpu.memref_slice %arg11[%dma_start3A_99, %dma_start3A_103] : memref<7x128xi32, #tpu.memory_space<vmem>> -> memref<1x128xi32, #tpu.memory_space<vmem>>
      %dma_start3A_105 = tpu.memref_squeeze %dma_start3A_104 : memref<1x128xi32, #tpu.memory_space<vmem>> -> memref<128xi32, #tpu.memory_space<vmem>>
      %dma_start3A_106 = arith.constant 0 : i32
      %dma_start3A_107 = arith.constant 0 : i32
      %dma_start3A_108 = tpu.memref_slice %arg4[%dma_start3A_106, %dma_start3A_107] : memref<8704x64xf32, #tpu.memory_space<hbm>> -> memref<8704x64xf32, #tpu.memory_space<hbm>>
      tpu.enqueue_indirect_dma source(%dma_start3A_108 : memref<8704x64xf32, #tpu.memory_space<hbm>>) target(%dma_start3A_102 : memref<128x64xf32, #tpu.memory_space<vmem>>) offsets(%dma_start3A_105 : memref<128xi32, #tpu.memory_space<vmem>>) semaphore(%arg18 : memref<!tpu.dma_semaphore, #tpu.memory_space<semaphore_mem>>)
      %dma_start3A_109 = arith.constant 3 : i32
      %dma_start3A_110 = arith.constant 384 : i32
      %dma_start3A_111 = arith.constant 0 : i32
      %dma_start3A_112 = tpu.memref_slice %arg13[%dma_start3A_110, %dma_start3A_111] : memref<896x16xf32, #tpu.memory_space<vmem>> -> memref<128x16xf32, #tpu.memory_space<vmem>>
      %dma_start3A_113 = arith.constant 0 : i32
      %dma_start3A_114 = tpu.memref_slice %arg10[%dma_start3A_109, %dma_start3A_113] : memref<7x128xi32, #tpu.memory_space<vmem>> -> memref<1x128xi32, #tpu.memory_space<vmem>>
      %dma_start3A_115 = tpu.memref_squeeze %dma_start3A_114 : memref<1x128xi32, #tpu.memory_space<vmem>> -> memref<128xi32, #tpu.memory_space<vmem>>
      %dma_start3A_116 = arith.constant 0 : i32
      %dma_start3A_117 = arith.constant 0 : i32
      %dma_start3A_118 = tpu.memref_slice %arg6[%dma_start3A_116, %dma_start3A_117] : memref<50176x16xf32, #tpu.memory_space<hbm>> -> memref<50176x16xf32, #tpu.memory_space<hbm>>
      tpu.enqueue_indirect_dma source(%dma_start3A_118 : memref<50176x16xf32, #tpu.memory_space<hbm>>) target(%dma_start3A_112 : memref<128x16xf32, #tpu.memory_space<vmem>>) offsets(%dma_start3A_115 : memref<128xi32, #tpu.memory_space<vmem>>) semaphore(%arg18 : memref<!tpu.dma_semaphore, #tpu.memory_space<semaphore_mem>>)
      %dma_start3A_119 = arith.constant 4 : i32
      %dma_start3A_120 = arith.constant 512 : i32
      %dma_start3A_121 = arith.constant 0 : i32
      %dma_start3A_122 = tpu.memref_slice %arg12[%dma_start3A_120, %dma_start3A_121] : memref<896x64xf32, #tpu.memory_space<vmem>> -> memref<128x64xf32, #tpu.memory_space<vmem>>
      %dma_start3A_123 = arith.constant 0 : i32
      %dma_start3A_124 = tpu.memref_slice %arg11[%dma_start3A_119, %dma_start3A_123] : memref<7x128xi32, #tpu.memory_space<vmem>> -> memref<1x128xi32, #tpu.memory_space<vmem>>
      %dma_start3A_125 = tpu.memref_squeeze %dma_start3A_124 : memref<1x128xi32, #tpu.memory_space<vmem>> -> memref<128xi32, #tpu.memory_space<vmem>>
      %dma_start3A_126 = arith.constant 0 : i32
      %dma_start3A_127 = arith.constant 0 : i32
      %dma_start3A_128 = tpu.memref_slice %arg4[%dma_start3A_126, %dma_start3A_127] : memref<8704x64xf32, #tpu.memory_space<hbm>> -> memref<8704x64xf32, #tpu.memory_space<hbm>>
      tpu.enqueue_indirect_dma source(%dma_start3A_128 : memref<8704x64xf32, #tpu.memory_space<hbm>>) target(%dma_start3A_122 : memref<128x64xf32, #tpu.memory_space<vmem>>) offsets(%dma_start3A_125 : memref<128xi32, #tpu.memory_space<vmem>>) semaphore(%arg18 : memref<!tpu.dma_semaphore, #tpu.memory_space<semaphore_mem>>)
      %dma_start3A_129 = arith.constant 4 : i32
      %dma_start3A_130 = arith.constant 512 : i32
      %dma_start3A_131 = arith.constant 0 : i32
      %dma_start3A_132 = tpu.memref_slice %arg13[%dma_start3A_130, %dma_start3A_131] : memref<896x16xf32, #tpu.memory_space<vmem>> -> memref<128x16xf32, #tpu.memory_space<vmem>>
      %dma_start3A_133 = arith.constant 0 : i32
      %dma_start3A_134 = tpu.memref_slice %arg10[%dma_start3A_129, %dma_start3A_133] : memref<7x128xi32, #tpu.memory_space<vmem>> -> memref<1x128xi32, #tpu.memory_space<vmem>>
      %dma_start3A_135 = tpu.memref_squeeze %dma_start3A_134 : memref<1x128xi32, #tpu.memory_space<vmem>> -> memref<128xi32, #tpu.memory_space<vmem>>
      %dma_start3A_136 = arith.constant 0 : i32
      %dma_start3A_137 = arith.constant 0 : i32
      %dma_start3A_138 = tpu.memref_slice %arg6[%dma_start3A_136, %dma_start3A_137] : memref<50176x16xf32, #tpu.memory_space<hbm>> -> memref<50176x16xf32, #tpu.memory_space<hbm>>
      tpu.enqueue_indirect_dma source(%dma_start3A_138 : memref<50176x16xf32, #tpu.memory_space<hbm>>) target(%dma_start3A_132 : memref<128x16xf32, #tpu.memory_space<vmem>>) offsets(%dma_start3A_135 : memref<128xi32, #tpu.memory_space<vmem>>) semaphore(%arg18 : memref<!tpu.dma_semaphore, #tpu.memory_space<semaphore_mem>>)
      %dma_start3A_139 = arith.constant 5 : i32
      %dma_start3A_140 = arith.constant 640 : i32
      %dma_start3A_141 = arith.constant 0 : i32
      %dma_start3A_142 = tpu.memref_slice %arg12[%dma_start3A_140, %dma_start3A_141] : memref<896x64xf32, #tpu.memory_space<vmem>> -> memref<128x64xf32, #tpu.memory_space<vmem>>
      %dma_start3A_143 = arith.constant 0 : i32
      %dma_start3A_144 = tpu.memref_slice %arg11[%dma_start3A_139, %dma_start3A_143] : memref<7x128xi32, #tpu.memory_space<vmem>> -> memref<1x128xi32, #tpu.memory_space<vmem>>
      %dma_start3A_145 = tpu.memref_squeeze %dma_start3A_144 : memref<1x128xi32, #tpu.memory_space<vmem>> -> memref<128xi32, #tpu.memory_space<vmem>>
      %dma_start3A_146 = arith.constant 0 : i32
      %dma_start3A_147 = arith.constant 0 : i32
      %dma_start3A_148 = tpu.memref_slice %arg4[%dma_start3A_146, %dma_start3A_147] : memref<8704x64xf32, #tpu.memory_space<hbm>> -> memref<8704x64xf32, #tpu.memory_space<hbm>>
      tpu.enqueue_indirect_dma source(%dma_start3A_148 : memref<8704x64xf32, #tpu.memory_space<hbm>>) target(%dma_start3A_142 : memref<128x64xf32, #tpu.memory_space<vmem>>) offsets(%dma_start3A_145 : memref<128xi32, #tpu.memory_space<vmem>>) semaphore(%arg18 : memref<!tpu.dma_semaphore, #tpu.memory_space<semaphore_mem>>)
      %dma_start3A_149 = arith.constant 5 : i32
      %dma_start3A_150 = arith.constant 640 : i32
      %dma_start3A_151 = arith.constant 0 : i32
      %dma_start3A_152 = tpu.memref_slice %arg13[%dma_start3A_150, %dma_start3A_151] : memref<896x16xf32, #tpu.memory_space<vmem>> -> memref<128x16xf32, #tpu.memory_space<vmem>>
      %dma_start3A_153 = arith.constant 0 : i32
      %dma_start3A_154 = tpu.memref_slice %arg10[%dma_start3A_149, %dma_start3A_153] : memref<7x128xi32, #tpu.memory_space<vmem>> -> memref<1x128xi32, #tpu.memory_space<vmem>>
      %dma_start3A_155 = tpu.memref_squeeze %dma_start3A_154 : memref<1x128xi32, #tpu.memory_space<vmem>> -> memref<128xi32, #tpu.memory_space<vmem>>
      %dma_start3A_156 = arith.constant 0 : i32
      %dma_start3A_157 = arith.constant 0 : i32
      %dma_start3A_158 = tpu.memref_slice %arg6[%dma_start3A_156, %dma_start3A_157] : memref<50176x16xf32, #tpu.memory_space<hbm>> -> memref<50176x16xf32, #tpu.memory_space<hbm>>
      tpu.enqueue_indirect_dma source(%dma_start3A_158 : memref<50176x16xf32, #tpu.memory_space<hbm>>) target(%dma_start3A_152 : memref<128x16xf32, #tpu.memory_space<vmem>>) offsets(%dma_start3A_155 : memref<128xi32, #tpu.memory_space<vmem>>) semaphore(%arg18 : memref<!tpu.dma_semaphore, #tpu.memory_space<semaphore_mem>>)
      %dma_start3A_159 = arith.constant 6 : i32
      %dma_start3A_160 = arith.constant 768 : i32
      %dma_start3A_161 = arith.constant 0 : i32
      %dma_start3A_162 = tpu.memref_slice %arg12[%dma_start3A_160, %dma_start3A_161] : memref<896x64xf32, #tpu.memory_space<vmem>> -> memref<128x64xf32, #tpu.memory_space<vmem>>
      %dma_start3A_163 = arith.constant 0 : i32
      %dma_start3A_164 = tpu.memref_slice %arg11[%dma_start3A_159, %dma_start3A_163] : memref<7x128xi32, #tpu.memory_space<vmem>> -> memref<1x128xi32, #tpu.memory_space<vmem>>
      %dma_start3A_165 = tpu.memref_squeeze %dma_start3A_164 : memref<1x128xi32, #tpu.memory_space<vmem>> -> memref<128xi32, #tpu.memory_space<vmem>>
      %dma_start3A_166 = arith.constant 0 : i32
      %dma_start3A_167 = arith.constant 0 : i32
      %dma_start3A_168 = tpu.memref_slice %arg4[%dma_start3A_166, %dma_start3A_167] : memref<8704x64xf32, #tpu.memory_space<hbm>> -> memref<8704x64xf32, #tpu.memory_space<hbm>>
      tpu.enqueue_indirect_dma source(%dma_start3A_168 : memref<8704x64xf32, #tpu.memory_space<hbm>>) target(%dma_start3A_162 : memref<128x64xf32, #tpu.memory_space<vmem>>) offsets(%dma_start3A_165 : memref<128xi32, #tpu.memory_space<vmem>>) semaphore(%arg18 : memref<!tpu.dma_semaphore, #tpu.memory_space<semaphore_mem>>)
      %dma_start3A_169 = arith.constant 6 : i32
      %dma_start3A_170 = arith.constant 768 : i32
      %dma_start3A_171 = arith.constant 0 : i32
      %dma_start3A_172 = tpu.memref_slice %arg13[%dma_start3A_170, %dma_start3A_171] : memref<896x16xf32, #tpu.memory_space<vmem>> -> memref<128x16xf32, #tpu.memory_space<vmem>>
      %dma_start3A_173 = arith.constant 0 : i32
      %dma_start3A_174 = tpu.memref_slice %arg10[%dma_start3A_169, %dma_start3A_173] : memref<7x128xi32, #tpu.memory_space<vmem>> -> memref<1x128xi32, #tpu.memory_space<vmem>>
      %dma_start3A_175 = tpu.memref_squeeze %dma_start3A_174 : memref<1x128xi32, #tpu.memory_space<vmem>> -> memref<128xi32, #tpu.memory_space<vmem>>
      %dma_start3A_176 = arith.constant 0 : i32
      %dma_start3A_177 = arith.constant 0 : i32
      %dma_start3A_178 = tpu.memref_slice %arg6[%dma_start3A_176, %dma_start3A_177] : memref<50176x16xf32, #tpu.memory_space<hbm>> -> memref<50176x16xf32, #tpu.memory_space<hbm>>
      tpu.enqueue_indirect_dma source(%dma_start3A_178 : memref<50176x16xf32, #tpu.memory_space<hbm>>) target(%dma_start3A_172 : memref<128x16xf32, #tpu.memory_space<vmem>>) offsets(%dma_start3A_175 : memref<128xi32, #tpu.memory_space<vmem>>) semaphore(%arg18 : memref<!tpu.dma_semaphore, #tpu.memory_space<semaphore_mem>>)
      %dma_wait3A = arith.constant 0 : i32
      %dma_wait3A_179 = arith.constant 0 : i32
      %dma_wait3A_180 = arith.constant 0 : i32
      %dma_wait3A_181 = tpu.memref_slice %arg12[%dma_wait3A_179, %dma_wait3A_180] : memref<896x64xf32, #tpu.memory_space<vmem>> -> memref<128x64xf32, #tpu.memory_space<vmem>>
      %dma_wait3A_182 = arith.constant 0 : i32
      %dma_wait3A_183 = tpu.memref_slice %arg11[%dma_wait3A, %dma_wait3A_182] : memref<7x128xi32, #tpu.memory_space<vmem>> -> memref<1x128xi32, #tpu.memory_space<vmem>>
      %dma_wait3A_184 = tpu.memref_squeeze %dma_wait3A_183 : memref<1x128xi32, #tpu.memory_space<vmem>> -> memref<128xi32, #tpu.memory_space<vmem>>
      %dma_wait3A_185 = arith.constant 0 : i32
      %dma_wait3A_186 = arith.constant 0 : i32
      %dma_wait3A_187 = tpu.memref_slice %arg4[%dma_wait3A_185, %dma_wait3A_186] : memref<8704x64xf32, #tpu.memory_space<hbm>> -> memref<8704x64xf32, #tpu.memory_space<hbm>>
      tpu.wait_indirect_dma semaphore(%arg18 : memref<!tpu.dma_semaphore, #tpu.memory_space<semaphore_mem>>) src(%dma_wait3A_187 : memref<8704x64xf32, #tpu.memory_space<hbm>>) dst(%dma_wait3A_181 : memref<128x64xf32, #tpu.memory_space<vmem>>)
      %dma_wait3A_188 = arith.constant 0 : i32
      %dma_wait3A_189 = arith.constant 0 : i32
      %dma_wait3A_190 = arith.constant 0 : i32
      %dma_wait3A_191 = tpu.memref_slice %arg13[%dma_wait3A_189, %dma_wait3A_190] : memref<896x16xf32, #tpu.memory_space<vmem>> -> memref<128x16xf32, #tpu.memory_space<vmem>>
      %dma_wait3A_192 = arith.constant 0 : i32
      %dma_wait3A_193 = tpu.memref_slice %arg10[%dma_wait3A_188, %dma_wait3A_192] : memref<7x128xi32, #tpu.memory_space<vmem>> -> memref<1x128xi32, #tpu.memory_space<vmem>>
      %dma_wait3A_194 = tpu.memref_squeeze %dma_wait3A_193 : memref<1x128xi32, #tpu.memory_space<vmem>> -> memref<128xi32, #tpu.memory_space<vmem>>
      %dma_wait3A_195 = arith.constant 0 : i32
      %dma_wait3A_196 = arith.constant 0 : i32
      %dma_wait3A_197 = tpu.memref_slice %arg6[%dma_wait3A_195, %dma_wait3A_196] : memref<50176x16xf32, #tpu.memory_space<hbm>> -> memref<50176x16xf32, #tpu.memory_space<hbm>>
      tpu.wait_indirect_dma semaphore(%arg18 : memref<!tpu.dma_semaphore, #tpu.memory_space<semaphore_mem>>) src(%dma_wait3A_197 : memref<50176x16xf32, #tpu.memory_space<hbm>>) dst(%dma_wait3A_191 : memref<128x16xf32, #tpu.memory_space<vmem>>)
      %dma_wait3A_198 = arith.constant 1 : i32
      %dma_wait3A_199 = arith.constant 128 : i32
      %dma_wait3A_200 = arith.constant 0 : i32
      %dma_wait3A_201 = tpu.memref_slice %arg12[%dma_wait3A_199, %dma_wait3A_200] : memref<896x64xf32, #tpu.memory_space<vmem>> -> memref<128x64xf32, #tpu.memory_space<vmem>>
      %dma_wait3A_202 = arith.constant 0 : i32
      %dma_wait3A_203 = tpu.memref_slice %arg11[%dma_wait3A_198, %dma_wait3A_202] : memref<7x128xi32, #tpu.memory_space<vmem>> -> memref<1x128xi32, #tpu.memory_space<vmem>>
      %dma_wait3A_204 = tpu.memref_squeeze %dma_wait3A_203 : memref<1x128xi32, #tpu.memory_space<vmem>> -> memref<128xi32, #tpu.memory_space<vmem>>
      %dma_wait3A_205 = arith.constant 0 : i32
      %dma_wait3A_206 = arith.constant 0 : i32
      %dma_wait3A_207 = tpu.memref_slice %arg4[%dma_wait3A_205, %dma_wait3A_206] : memref<8704x64xf32, #tpu.memory_space<hbm>> -> memref<8704x64xf32, #tpu.memory_space<hbm>>
      tpu.wait_indirect_dma semaphore(%arg18 : memref<!tpu.dma_semaphore, #tpu.memory_space<semaphore_mem>>) src(%dma_wait3A_207 : memref<8704x64xf32, #tpu.memory_space<hbm>>) dst(%dma_wait3A_201 : memref<128x64xf32, #tpu.memory_space<vmem>>)
      %dma_wait3A_208 = arith.constant 1 : i32
      %dma_wait3A_209 = arith.constant 128 : i32
      %dma_wait3A_210 = arith.constant 0 : i32
      %dma_wait3A_211 = tpu.memref_slice %arg13[%dma_wait3A_209, %dma_wait3A_210] : memref<896x16xf32, #tpu.memory_space<vmem>> -> memref<128x16xf32, #tpu.memory_space<vmem>>
      %dma_wait3A_212 = arith.constant 0 : i32
      %dma_wait3A_213 = tpu.memref_slice %arg10[%dma_wait3A_208, %dma_wait3A_212] : memref<7x128xi32, #tpu.memory_space<vmem>> -> memref<1x128xi32, #tpu.memory_space<vmem>>
      %dma_wait3A_214 = tpu.memref_squeeze %dma_wait3A_213 : memref<1x128xi32, #tpu.memory_space<vmem>> -> memref<128xi32, #tpu.memory_space<vmem>>
      %dma_wait3A_215 = arith.constant 0 : i32
      %dma_wait3A_216 = arith.constant 0 : i32
      %dma_wait3A_217 = tpu.memref_slice %arg6[%dma_wait3A_215, %dma_wait3A_216] : memref<50176x16xf32, #tpu.memory_space<hbm>> -> memref<50176x16xf32, #tpu.memory_space<hbm>>
      tpu.wait_indirect_dma semaphore(%arg18 : memref<!tpu.dma_semaphore, #tpu.memory_space<semaphore_mem>>) src(%dma_wait3A_217 : memref<50176x16xf32, #tpu.memory_space<hbm>>) dst(%dma_wait3A_211 : memref<128x16xf32, #tpu.memory_space<vmem>>)
      %dma_wait3A_218 = arith.constant 2 : i32
      %dma_wait3A_219 = arith.constant 256 : i32
      %dma_wait3A_220 = arith.constant 0 : i32
      %dma_wait3A_221 = tpu.memref_slice %arg12[%dma_wait3A_219, %dma_wait3A_220] : memref<896x64xf32, #tpu.memory_space<vmem>> -> memref<128x64xf32, #tpu.memory_space<vmem>>
      %dma_wait3A_222 = arith.constant 0 : i32
      %dma_wait3A_223 = tpu.memref_slice %arg11[%dma_wait3A_218, %dma_wait3A_222] : memref<7x128xi32, #tpu.memory_space<vmem>> -> memref<1x128xi32, #tpu.memory_space<vmem>>
      %dma_wait3A_224 = tpu.memref_squeeze %dma_wait3A_223 : memref<1x128xi32, #tpu.memory_space<vmem>> -> memref<128xi32, #tpu.memory_space<vmem>>
      %dma_wait3A_225 = arith.constant 0 : i32
      %dma_wait3A_226 = arith.constant 0 : i32
      %dma_wait3A_227 = tpu.memref_slice %arg4[%dma_wait3A_225, %dma_wait3A_226] : memref<8704x64xf32, #tpu.memory_space<hbm>> -> memref<8704x64xf32, #tpu.memory_space<hbm>>
      tpu.wait_indirect_dma semaphore(%arg18 : memref<!tpu.dma_semaphore, #tpu.memory_space<semaphore_mem>>) src(%dma_wait3A_227 : memref<8704x64xf32, #tpu.memory_space<hbm>>) dst(%dma_wait3A_221 : memref<128x64xf32, #tpu.memory_space<vmem>>)
      %dma_wait3A_228 = arith.constant 2 : i32
      %dma_wait3A_229 = arith.constant 256 : i32
      %dma_wait3A_230 = arith.constant 0 : i32
      %dma_wait3A_231 = tpu.memref_slice %arg13[%dma_wait3A_229, %dma_wait3A_230] : memref<896x16xf32, #tpu.memory_space<vmem>> -> memref<128x16xf32, #tpu.memory_space<vmem>>
      %dma_wait3A_232 = arith.constant 0 : i32
      %dma_wait3A_233 = tpu.memref_slice %arg10[%dma_wait3A_228, %dma_wait3A_232] : memref<7x128xi32, #tpu.memory_space<vmem>> -> memref<1x128xi32, #tpu.memory_space<vmem>>
      %dma_wait3A_234 = tpu.memref_squeeze %dma_wait3A_233 : memref<1x128xi32, #tpu.memory_space<vmem>> -> memref<128xi32, #tpu.memory_space<vmem>>
      %dma_wait3A_235 = arith.constant 0 : i32
      %dma_wait3A_236 = arith.constant 0 : i32
      %dma_wait3A_237 = tpu.memref_slice %arg6[%dma_wait3A_235, %dma_wait3A_236] : memref<50176x16xf32, #tpu.memory_space<hbm>> -> memref<50176x16xf32, #tpu.memory_space<hbm>>
      tpu.wait_indirect_dma semaphore(%arg18 : memref<!tpu.dma_semaphore, #tpu.memory_space<semaphore_mem>>) src(%dma_wait3A_237 : memref<50176x16xf32, #tpu.memory_space<hbm>>) dst(%dma_wait3A_231 : memref<128x16xf32, #tpu.memory_space<vmem>>)
      %dma_wait3A_238 = arith.constant 3 : i32
      %dma_wait3A_239 = arith.constant 384 : i32
      %dma_wait3A_240 = arith.constant 0 : i32
      %dma_wait3A_241 = tpu.memref_slice %arg12[%dma_wait3A_239, %dma_wait3A_240] : memref<896x64xf32, #tpu.memory_space<vmem>> -> memref<128x64xf32, #tpu.memory_space<vmem>>
      %dma_wait3A_242 = arith.constant 0 : i32
      %dma_wait3A_243 = tpu.memref_slice %arg11[%dma_wait3A_238, %dma_wait3A_242] : memref<7x128xi32, #tpu.memory_space<vmem>> -> memref<1x128xi32, #tpu.memory_space<vmem>>
      %dma_wait3A_244 = tpu.memref_squeeze %dma_wait3A_243 : memref<1x128xi32, #tpu.memory_space<vmem>> -> memref<128xi32, #tpu.memory_space<vmem>>
      %dma_wait3A_245 = arith.constant 0 : i32
      %dma_wait3A_246 = arith.constant 0 : i32
      %dma_wait3A_247 = tpu.memref_slice %arg4[%dma_wait3A_245, %dma_wait3A_246] : memref<8704x64xf32, #tpu.memory_space<hbm>> -> memref<8704x64xf32, #tpu.memory_space<hbm>>
      tpu.wait_indirect_dma semaphore(%arg18 : memref<!tpu.dma_semaphore, #tpu.memory_space<semaphore_mem>>) src(%dma_wait3A_247 : memref<8704x64xf32, #tpu.memory_space<hbm>>) dst(%dma_wait3A_241 : memref<128x64xf32, #tpu.memory_space<vmem>>)
      %dma_wait3A_248 = arith.constant 3 : i32
      %dma_wait3A_249 = arith.constant 384 : i32
      %dma_wait3A_250 = arith.constant 0 : i32
      %dma_wait3A_251 = tpu.memref_slice %arg13[%dma_wait3A_249, %dma_wait3A_250] : memref<896x16xf32, #tpu.memory_space<vmem>> -> memref<128x16xf32, #tpu.memory_space<vmem>>
      %dma_wait3A_252 = arith.constant 0 : i32
      %dma_wait3A_253 = tpu.memref_slice %arg10[%dma_wait3A_248, %dma_wait3A_252] : memref<7x128xi32, #tpu.memory_space<vmem>> -> memref<1x128xi32, #tpu.memory_space<vmem>>
      %dma_wait3A_254 = tpu.memref_squeeze %dma_wait3A_253 : memref<1x128xi32, #tpu.memory_space<vmem>> -> memref<128xi32, #tpu.memory_space<vmem>>
      %dma_wait3A_255 = arith.constant 0 : i32
      %dma_wait3A_256 = arith.constant 0 : i32
      %dma_wait3A_257 = tpu.memref_slice %arg6[%dma_wait3A_255, %dma_wait3A_256] : memref<50176x16xf32, #tpu.memory_space<hbm>> -> memref<50176x16xf32, #tpu.memory_space<hbm>>
      tpu.wait_indirect_dma semaphore(%arg18 : memref<!tpu.dma_semaphore, #tpu.memory_space<semaphore_mem>>) src(%dma_wait3A_257 : memref<50176x16xf32, #tpu.memory_space<hbm>>) dst(%dma_wait3A_251 : memref<128x16xf32, #tpu.memory_space<vmem>>)
      %dma_wait3A_258 = arith.constant 4 : i32
      %dma_wait3A_259 = arith.constant 512 : i32
      %dma_wait3A_260 = arith.constant 0 : i32
      %dma_wait3A_261 = tpu.memref_slice %arg12[%dma_wait3A_259, %dma_wait3A_260] : memref<896x64xf32, #tpu.memory_space<vmem>> -> memref<128x64xf32, #tpu.memory_space<vmem>>
      %dma_wait3A_262 = arith.constant 0 : i32
      %dma_wait3A_263 = tpu.memref_slice %arg11[%dma_wait3A_258, %dma_wait3A_262] : memref<7x128xi32, #tpu.memory_space<vmem>> -> memref<1x128xi32, #tpu.memory_space<vmem>>
      %dma_wait3A_264 = tpu.memref_squeeze %dma_wait3A_263 : memref<1x128xi32, #tpu.memory_space<vmem>> -> memref<128xi32, #tpu.memory_space<vmem>>
      %dma_wait3A_265 = arith.constant 0 : i32
      %dma_wait3A_266 = arith.constant 0 : i32
      %dma_wait3A_267 = tpu.memref_slice %arg4[%dma_wait3A_265, %dma_wait3A_266] : memref<8704x64xf32, #tpu.memory_space<hbm>> -> memref<8704x64xf32, #tpu.memory_space<hbm>>
      tpu.wait_indirect_dma semaphore(%arg18 : memref<!tpu.dma_semaphore, #tpu.memory_space<semaphore_mem>>) src(%dma_wait3A_267 : memref<8704x64xf32, #tpu.memory_space<hbm>>) dst(%dma_wait3A_261 : memref<128x64xf32, #tpu.memory_space<vmem>>)
      %dma_wait3A_268 = arith.constant 4 : i32
      %dma_wait3A_269 = arith.constant 512 : i32
      %dma_wait3A_270 = arith.constant 0 : i32
      %dma_wait3A_271 = tpu.memref_slice %arg13[%dma_wait3A_269, %dma_wait3A_270] : memref<896x16xf32, #tpu.memory_space<vmem>> -> memref<128x16xf32, #tpu.memory_space<vmem>>
      %dma_wait3A_272 = arith.constant 0 : i32
      %dma_wait3A_273 = tpu.memref_slice %arg10[%dma_wait3A_268, %dma_wait3A_272] : memref<7x128xi32, #tpu.memory_space<vmem>> -> memref<1x128xi32, #tpu.memory_space<vmem>>
      %dma_wait3A_274 = tpu.memref_squeeze %dma_wait3A_273 : memref<1x128xi32, #tpu.memory_space<vmem>> -> memref<128xi32, #tpu.memory_space<vmem>>
      %dma_wait3A_275 = arith.constant 0 : i32
      %dma_wait3A_276 = arith.constant 0 : i32
      %dma_wait3A_277 = tpu.memref_slice %arg6[%dma_wait3A_275, %dma_wait3A_276] : memref<50176x16xf32, #tpu.memory_space<hbm>> -> memref<50176x16xf32, #tpu.memory_space<hbm>>
      tpu.wait_indirect_dma semaphore(%arg18 : memref<!tpu.dma_semaphore, #tpu.memory_space<semaphore_mem>>) src(%dma_wait3A_277 : memref<50176x16xf32, #tpu.memory_space<hbm>>) dst(%dma_wait3A_271 : memref<128x16xf32, #tpu.memory_space<vmem>>)
      %dma_wait3A_278 = arith.constant 5 : i32
      %dma_wait3A_279 = arith.constant 640 : i32
      %dma_wait3A_280 = arith.constant 0 : i32
      %dma_wait3A_281 = tpu.memref_slice %arg12[%dma_wait3A_279, %dma_wait3A_280] : memref<896x64xf32, #tpu.memory_space<vmem>> -> memref<128x64xf32, #tpu.memory_space<vmem>>
      %dma_wait3A_282 = arith.constant 0 : i32
      %dma_wait3A_283 = tpu.memref_slice %arg11[%dma_wait3A_278, %dma_wait3A_282] : memref<7x128xi32, #tpu.memory_space<vmem>> -> memref<1x128xi32, #tpu.memory_space<vmem>>
      %dma_wait3A_284 = tpu.memref_squeeze %dma_wait3A_283 : memref<1x128xi32, #tpu.memory_space<vmem>> -> memref<128xi32, #tpu.memory_space<vmem>>
      %dma_wait3A_285 = arith.constant 0 : i32
      %dma_wait3A_286 = arith.constant 0 : i32
      %dma_wait3A_287 = tpu.memref_slice %arg4[%dma_wait3A_285, %dma_wait3A_286] : memref<8704x64xf32, #tpu.memory_space<hbm>> -> memref<8704x64xf32, #tpu.memory_space<hbm>>
      tpu.wait_indirect_dma semaphore(%arg18 : memref<!tpu.dma_semaphore, #tpu.memory_space<semaphore_mem>>) src(%dma_wait3A_287 : memref<8704x64xf32, #tpu.memory_space<hbm>>) dst(%dma_wait3A_281 : memref<128x64xf32, #tpu.memory_space<vmem>>)
      %dma_wait3A_288 = arith.constant 5 : i32
      %dma_wait3A_289 = arith.constant 640 : i32
      %dma_wait3A_290 = arith.constant 0 : i32
      %dma_wait3A_291 = tpu.memref_slice %arg13[%dma_wait3A_289, %dma_wait3A_290] : memref<896x16xf32, #tpu.memory_space<vmem>> -> memref<128x16xf32, #tpu.memory_space<vmem>>
      %dma_wait3A_292 = arith.constant 0 : i32
      %dma_wait3A_293 = tpu.memref_slice %arg10[%dma_wait3A_288, %dma_wait3A_292] : memref<7x128xi32, #tpu.memory_space<vmem>> -> memref<1x128xi32, #tpu.memory_space<vmem>>
      %dma_wait3A_294 = tpu.memref_squeeze %dma_wait3A_293 : memref<1x128xi32, #tpu.memory_space<vmem>> -> memref<128xi32, #tpu.memory_space<vmem>>
      %dma_wait3A_295 = arith.constant 0 : i32
      %dma_wait3A_296 = arith.constant 0 : i32
      %dma_wait3A_297 = tpu.memref_slice %arg6[%dma_wait3A_295, %dma_wait3A_296] : memref<50176x16xf32, #tpu.memory_space<hbm>> -> memref<50176x16xf32, #tpu.memory_space<hbm>>
      tpu.wait_indirect_dma semaphore(%arg18 : memref<!tpu.dma_semaphore, #tpu.memory_space<semaphore_mem>>) src(%dma_wait3A_297 : memref<50176x16xf32, #tpu.memory_space<hbm>>) dst(%dma_wait3A_291 : memref<128x16xf32, #tpu.memory_space<vmem>>)
      %dma_wait3A_298 = arith.constant 6 : i32
      %dma_wait3A_299 = arith.constant 768 : i32
      %dma_wait3A_300 = arith.constant 0 : i32
      %dma_wait3A_301 = tpu.memref_slice %arg12[%dma_wait3A_299, %dma_wait3A_300] : memref<896x64xf32, #tpu.memory_space<vmem>> -> memref<128x64xf32, #tpu.memory_space<vmem>>
      %dma_wait3A_302 = arith.constant 0 : i32
      %dma_wait3A_303 = tpu.memref_slice %arg11[%dma_wait3A_298, %dma_wait3A_302] : memref<7x128xi32, #tpu.memory_space<vmem>> -> memref<1x128xi32, #tpu.memory_space<vmem>>
      %dma_wait3A_304 = tpu.memref_squeeze %dma_wait3A_303 : memref<1x128xi32, #tpu.memory_space<vmem>> -> memref<128xi32, #tpu.memory_space<vmem>>
      %dma_wait3A_305 = arith.constant 0 : i32
      %dma_wait3A_306 = arith.constant 0 : i32
      %dma_wait3A_307 = tpu.memref_slice %arg4[%dma_wait3A_305, %dma_wait3A_306] : memref<8704x64xf32, #tpu.memory_space<hbm>> -> memref<8704x64xf32, #tpu.memory_space<hbm>>
      tpu.wait_indirect_dma semaphore(%arg18 : memref<!tpu.dma_semaphore, #tpu.memory_space<semaphore_mem>>) src(%dma_wait3A_307 : memref<8704x64xf32, #tpu.memory_space<hbm>>) dst(%dma_wait3A_301 : memref<128x64xf32, #tpu.memory_space<vmem>>)
      %dma_wait3A_308 = arith.constant 6 : i32
      %dma_wait3A_309 = arith.constant 768 : i32
      %dma_wait3A_310 = arith.constant 0 : i32
      %dma_wait3A_311 = tpu.memref_slice %arg13[%dma_wait3A_309, %dma_wait3A_310] : memref<896x16xf32, #tpu.memory_space<vmem>> -> memref<128x16xf32, #tpu.memory_space<vmem>>
      %dma_wait3A_312 = arith.constant 0 : i32
      %dma_wait3A_313 = tpu.memref_slice %arg10[%dma_wait3A_308, %dma_wait3A_312] : memref<7x128xi32, #tpu.memory_space<vmem>> -> memref<1x128xi32, #tpu.memory_space<vmem>>
      %dma_wait3A_314 = tpu.memref_squeeze %dma_wait3A_313 : memref<1x128xi32, #tpu.memory_space<vmem>> -> memref<128xi32, #tpu.memory_space<vmem>>
      %dma_wait3A_315 = arith.constant 0 : i32
      %dma_wait3A_316 = arith.constant 0 : i32
      %dma_wait3A_317 = tpu.memref_slice %arg6[%dma_wait3A_315, %dma_wait3A_316] : memref<50176x16xf32, #tpu.memory_space<hbm>> -> memref<50176x16xf32, #tpu.memory_space<hbm>>
      tpu.wait_indirect_dma semaphore(%arg18 : memref<!tpu.dma_semaphore, #tpu.memory_space<semaphore_mem>>) src(%dma_wait3A_317 : memref<50176x16xf32, #tpu.memory_space<hbm>>) dst(%dma_wait3A_311 : memref<128x16xf32, #tpu.memory_space<vmem>>)
      %dma_start3A_318 = arith.constant 0 : i32
      %dma_start3A_319 = arith.constant 0 : i32
      %dma_start3A_320 = arith.constant 0 : i32
      %dma_start3A_321 = tpu.memref_slice %arg12[%dma_start3A_319, %dma_start3A_320] : memref<896x64xf32, #tpu.memory_space<vmem>> -> memref<128x64xf32, #tpu.memory_space<vmem>>
      %dma_start3A_322 = arith.constant 0 : i32
      %dma_start3A_323 = tpu.memref_slice %arg10[%dma_start3A_318, %dma_start3A_322] : memref<7x128xi32, #tpu.memory_space<vmem>> -> memref<1x128xi32, #tpu.memory_space<vmem>>
      %dma_start3A_324 = tpu.memref_squeeze %dma_start3A_323 : memref<1x128xi32, #tpu.memory_space<vmem>> -> memref<128xi32, #tpu.memory_space<vmem>>
      %dma_start3A_325 = arith.constant 0 : i32
      %dma_start3A_326 = arith.constant 0 : i32
      %dma_start3A_327 = tpu.memref_slice %arg5[%dma_start3A_325, %dma_start3A_326] : memref<50176x64xf32, #tpu.memory_space<hbm>> -> memref<50176x64xf32, #tpu.memory_space<hbm>>
      tpu.enqueue_indirect_dma source(%dma_start3A_327 : memref<50176x64xf32, #tpu.memory_space<hbm>>) target(%dma_start3A_321 : memref<128x64xf32, #tpu.memory_space<vmem>>) offsets(%dma_start3A_324 : memref<128xi32, #tpu.memory_space<vmem>>) semaphore(%arg18 : memref<!tpu.dma_semaphore, #tpu.memory_space<semaphore_mem>>) {add = true}
      %dma_start3A_328 = arith.constant 1 : i32
      %dma_start3A_329 = arith.constant 128 : i32
      %dma_start3A_330 = arith.constant 0 : i32
      %dma_start3A_331 = tpu.memref_slice %arg12[%dma_start3A_329, %dma_start3A_330] : memref<896x64xf32, #tpu.memory_space<vmem>> -> memref<128x64xf32, #tpu.memory_space<vmem>>
      %dma_start3A_332 = arith.constant 0 : i32
      %dma_start3A_333 = tpu.memref_slice %arg10[%dma_start3A_328, %dma_start3A_332] : memref<7x128xi32, #tpu.memory_space<vmem>> -> memref<1x128xi32, #tpu.memory_space<vmem>>
      %dma_start3A_334 = tpu.memref_squeeze %dma_start3A_333 : memref<1x128xi32, #tpu.memory_space<vmem>> -> memref<128xi32, #tpu.memory_space<vmem>>
      %dma_start3A_335 = arith.constant 0 : i32
      %dma_start3A_336 = arith.constant 0 : i32
      %dma_start3A_337 = tpu.memref_slice %arg5[%dma_start3A_335, %dma_start3A_336] : memref<50176x64xf32, #tpu.memory_space<hbm>> -> memref<50176x64xf32, #tpu.memory_space<hbm>>
      tpu.enqueue_indirect_dma source(%dma_start3A_337 : memref<50176x64xf32, #tpu.memory_space<hbm>>) target(%dma_start3A_331 : memref<128x64xf32, #tpu.memory_space<vmem>>) offsets(%dma_start3A_334 : memref<128xi32, #tpu.memory_space<vmem>>) semaphore(%arg18 : memref<!tpu.dma_semaphore, #tpu.memory_space<semaphore_mem>>) {add = true}
      %dma_start3A_338 = arith.constant 2 : i32
      %dma_start3A_339 = arith.constant 256 : i32
      %dma_start3A_340 = arith.constant 0 : i32
      %dma_start3A_341 = tpu.memref_slice %arg12[%dma_start3A_339, %dma_start3A_340] : memref<896x64xf32, #tpu.memory_space<vmem>> -> memref<128x64xf32, #tpu.memory_space<vmem>>
      %dma_start3A_342 = arith.constant 0 : i32
      %dma_start3A_343 = tpu.memref_slice %arg10[%dma_start3A_338, %dma_start3A_342] : memref<7x128xi32, #tpu.memory_space<vmem>> -> memref<1x128xi32, #tpu.memory_space<vmem>>
      %dma_start3A_344 = tpu.memref_squeeze %dma_start3A_343 : memref<1x128xi32, #tpu.memory_space<vmem>> -> memref<128xi32, #tpu.memory_space<vmem>>
      %dma_start3A_345 = arith.constant 0 : i32
      %dma_start3A_346 = arith.constant 0 : i32
      %dma_start3A_347 = tpu.memref_slice %arg5[%dma_start3A_345, %dma_start3A_346] : memref<50176x64xf32, #tpu.memory_space<hbm>> -> memref<50176x64xf32, #tpu.memory_space<hbm>>
      tpu.enqueue_indirect_dma source(%dma_start3A_347 : memref<50176x64xf32, #tpu.memory_space<hbm>>) target(%dma_start3A_341 : memref<128x64xf32, #tpu.memory_space<vmem>>) offsets(%dma_start3A_344 : memref<128xi32, #tpu.memory_space<vmem>>) semaphore(%arg18 : memref<!tpu.dma_semaphore, #tpu.memory_space<semaphore_mem>>) {add = true}
      %dma_start3A_348 = arith.constant 3 : i32
      %dma_start3A_349 = arith.constant 384 : i32
      %dma_start3A_350 = arith.constant 0 : i32
      %dma_start3A_351 = tpu.memref_slice %arg12[%dma_start3A_349, %dma_start3A_350] : memref<896x64xf32, #tpu.memory_space<vmem>> -> memref<128x64xf32, #tpu.memory_space<vmem>>
      %dma_start3A_352 = arith.constant 0 : i32
      %dma_start3A_353 = tpu.memref_slice %arg10[%dma_start3A_348, %dma_start3A_352] : memref<7x128xi32, #tpu.memory_space<vmem>> -> memref<1x128xi32, #tpu.memory_space<vmem>>
      %dma_start3A_354 = tpu.memref_squeeze %dma_start3A_353 : memref<1x128xi32, #tpu.memory_space<vmem>> -> memref<128xi32, #tpu.memory_space<vmem>>
      %dma_start3A_355 = arith.constant 0 : i32
      %dma_start3A_356 = arith.constant 0 : i32
      %dma_start3A_357 = tpu.memref_slice %arg5[%dma_start3A_355, %dma_start3A_356] : memref<50176x64xf32, #tpu.memory_space<hbm>> -> memref<50176x64xf32, #tpu.memory_space<hbm>>
      tpu.enqueue_indirect_dma source(%dma_start3A_357 : memref<50176x64xf32, #tpu.memory_space<hbm>>) target(%dma_start3A_351 : memref<128x64xf32, #tpu.memory_space<vmem>>) offsets(%dma_start3A_354 : memref<128xi32, #tpu.memory_space<vmem>>) semaphore(%arg18 : memref<!tpu.dma_semaphore, #tpu.memory_space<semaphore_mem>>) {add = true}
      %dma_start3A_358 = arith.constant 4 : i32
      %dma_start3A_359 = arith.constant 512 : i32
      %dma_start3A_360 = arith.constant 0 : i32
      %dma_start3A_361 = tpu.memref_slice %arg12[%dma_start3A_359, %dma_start3A_360] : memref<896x64xf32, #tpu.memory_space<vmem>> -> memref<128x64xf32, #tpu.memory_space<vmem>>
      %dma_start3A_362 = arith.constant 0 : i32
      %dma_start3A_363 = tpu.memref_slice %arg10[%dma_start3A_358, %dma_start3A_362] : memref<7x128xi32, #tpu.memory_space<vmem>> -> memref<1x128xi32, #tpu.memory_space<vmem>>
      %dma_start3A_364 = tpu.memref_squeeze %dma_start3A_363 : memref<1x128xi32, #tpu.memory_space<vmem>> -> memref<128xi32, #tpu.memory_space<vmem>>
      %dma_start3A_365 = arith.constant 0 : i32
      %dma_start3A_366 = arith.constant 0 : i32
      %dma_start3A_367 = tpu.memref_slice %arg5[%dma_start3A_365, %dma_start3A_366] : memref<50176x64xf32, #tpu.memory_space<hbm>> -> memref<50176x64xf32, #tpu.memory_space<hbm>>
      tpu.enqueue_indirect_dma source(%dma_start3A_367 : memref<50176x64xf32, #tpu.memory_space<hbm>>) target(%dma_start3A_361 : memref<128x64xf32, #tpu.memory_space<vmem>>) offsets(%dma_start3A_364 : memref<128xi32, #tpu.memory_space<vmem>>) semaphore(%arg18 : memref<!tpu.dma_semaphore, #tpu.memory_space<semaphore_mem>>) {add = true}
      %dma_start3A_368 = arith.constant 5 : i32
      %dma_start3A_369 = arith.constant 640 : i32
      %dma_start3A_370 = arith.constant 0 : i32
      %dma_start3A_371 = tpu.memref_slice %arg12[%dma_start3A_369, %dma_start3A_370] : memref<896x64xf32, #tpu.memory_space<vmem>> -> memref<128x64xf32, #tpu.memory_space<vmem>>
      %dma_start3A_372 = arith.constant 0 : i32
      %dma_start3A_373 = tpu.memref_slice %arg10[%dma_start3A_368, %dma_start3A_372] : memref<7x128xi32, #tpu.memory_space<vmem>> -> memref<1x128xi32, #tpu.memory_space<vmem>>
      %dma_start3A_374 = tpu.memref_squeeze %dma_start3A_373 : memref<1x128xi32, #tpu.memory_space<vmem>> -> memref<128xi32, #tpu.memory_space<vmem>>
      %dma_start3A_375 = arith.constant 0 : i32
      %dma_start3A_376 = arith.constant 0 : i32
      %dma_start3A_377 = tpu.memref_slice %arg5[%dma_start3A_375, %dma_start3A_376] : memref<50176x64xf32, #tpu.memory_space<hbm>> -> memref<50176x64xf32, #tpu.memory_space<hbm>>
      tpu.enqueue_indirect_dma source(%dma_start3A_377 : memref<50176x64xf32, #tpu.memory_space<hbm>>) target(%dma_start3A_371 : memref<128x64xf32, #tpu.memory_space<vmem>>) offsets(%dma_start3A_374 : memref<128xi32, #tpu.memory_space<vmem>>) semaphore(%arg18 : memref<!tpu.dma_semaphore, #tpu.memory_space<semaphore_mem>>) {add = true}
      %dma_start3A_378 = arith.constant 6 : i32
      %dma_start3A_379 = arith.constant 768 : i32
      %dma_start3A_380 = arith.constant 0 : i32
      %dma_start3A_381 = tpu.memref_slice %arg12[%dma_start3A_379, %dma_start3A_380] : memref<896x64xf32, #tpu.memory_space<vmem>> -> memref<128x64xf32, #tpu.memory_space<vmem>>
      %dma_start3A_382 = arith.constant 0 : i32
      %dma_start3A_383 = tpu.memref_slice %arg10[%dma_start3A_378, %dma_start3A_382] : memref<7x128xi32, #tpu.memory_space<vmem>> -> memref<1x128xi32, #tpu.memory_space<vmem>>
      %dma_start3A_384 = tpu.memref_squeeze %dma_start3A_383 : memref<1x128xi32, #tpu.memory_space<vmem>> -> memref<128xi32, #tpu.memory_space<vmem>>
      %dma_start3A_385 = arith.constant 0 : i32
      %dma_start3A_386 = arith.constant 0 : i32
      %dma_start3A_387 = tpu.memref_slice %arg5[%dma_start3A_385, %dma_start3A_386] : memref<50176x64xf32, #tpu.memory_space<hbm>> -> memref<50176x64xf32, #tpu.memory_space<hbm>>
      tpu.enqueue_indirect_dma source(%dma_start3A_387 : memref<50176x64xf32, #tpu.memory_space<hbm>>) target(%dma_start3A_381 : memref<128x64xf32, #tpu.memory_space<vmem>>) offsets(%dma_start3A_384 : memref<128xi32, #tpu.memory_space<vmem>>) semaphore(%arg18 : memref<!tpu.dma_semaphore, #tpu.memory_space<semaphore_mem>>) {add = true}
      %dma_wait3A_388 = arith.constant 0 : i32
      %dma_wait3A_389 = arith.constant 0 : i32
      %dma_wait3A_390 = arith.constant 0 : i32
      %dma_wait3A_391 = tpu.memref_slice %arg12[%dma_wait3A_389, %dma_wait3A_390] : memref<896x64xf32, #tpu.memory_space<vmem>> -> memref<128x64xf32, #tpu.memory_space<vmem>>
      %dma_wait3A_392 = arith.constant 0 : i32
      %dma_wait3A_393 = tpu.memref_slice %arg10[%dma_wait3A_388, %dma_wait3A_392] : memref<7x128xi32, #tpu.memory_space<vmem>> -> memref<1x128xi32, #tpu.memory_space<vmem>>
      %dma_wait3A_394 = tpu.memref_squeeze %dma_wait3A_393 : memref<1x128xi32, #tpu.memory_space<vmem>> -> memref<128xi32, #tpu.memory_space<vmem>>
      %dma_wait3A_395 = arith.constant 0 : i32
      %dma_wait3A_396 = arith.constant 0 : i32
      %dma_wait3A_397 = tpu.memref_slice %arg5[%dma_wait3A_395, %dma_wait3A_396] : memref<50176x64xf32, #tpu.memory_space<hbm>> -> memref<50176x64xf32, #tpu.memory_space<hbm>>
      tpu.wait_indirect_dma semaphore(%arg18 : memref<!tpu.dma_semaphore, #tpu.memory_space<semaphore_mem>>) src(%dma_wait3A_397 : memref<50176x64xf32, #tpu.memory_space<hbm>>) dst(%dma_wait3A_391 : memref<128x64xf32, #tpu.memory_space<vmem>>)
      %dma_wait3A_398 = arith.constant 1 : i32
      %dma_wait3A_399 = arith.constant 128 : i32
      %dma_wait3A_400 = arith.constant 0 : i32
      %dma_wait3A_401 = tpu.memref_slice %arg12[%dma_wait3A_399, %dma_wait3A_400] : memref<896x64xf32, #tpu.memory_space<vmem>> -> memref<128x64xf32, #tpu.memory_space<vmem>>
      %dma_wait3A_402 = arith.constant 0 : i32
      %dma_wait3A_403 = tpu.memref_slice %arg10[%dma_wait3A_398, %dma_wait3A_402] : memref<7x128xi32, #tpu.memory_space<vmem>> -> memref<1x128xi32, #tpu.memory_space<vmem>>
      %dma_wait3A_404 = tpu.memref_squeeze %dma_wait3A_403 : memref<1x128xi32, #tpu.memory_space<vmem>> -> memref<128xi32, #tpu.memory_space<vmem>>
      %dma_wait3A_405 = arith.constant 0 : i32
      %dma_wait3A_406 = arith.constant 0 : i32
      %dma_wait3A_407 = tpu.memref_slice %arg5[%dma_wait3A_405, %dma_wait3A_406] : memref<50176x64xf32, #tpu.memory_space<hbm>> -> memref<50176x64xf32, #tpu.memory_space<hbm>>
      tpu.wait_indirect_dma semaphore(%arg18 : memref<!tpu.dma_semaphore, #tpu.memory_space<semaphore_mem>>) src(%dma_wait3A_407 : memref<50176x64xf32, #tpu.memory_space<hbm>>) dst(%dma_wait3A_401 : memref<128x64xf32, #tpu.memory_space<vmem>>)
      %dma_wait3A_408 = arith.constant 2 : i32
      %dma_wait3A_409 = arith.constant 256 : i32
      %dma_wait3A_410 = arith.constant 0 : i32
      %dma_wait3A_411 = tpu.memref_slice %arg12[%dma_wait3A_409, %dma_wait3A_410] : memref<896x64xf32, #tpu.memory_space<vmem>> -> memref<128x64xf32, #tpu.memory_space<vmem>>
      %dma_wait3A_412 = arith.constant 0 : i32
      %dma_wait3A_413 = tpu.memref_slice %arg10[%dma_wait3A_408, %dma_wait3A_412] : memref<7x128xi32, #tpu.memory_space<vmem>> -> memref<1x128xi32, #tpu.memory_space<vmem>>
      %dma_wait3A_414 = tpu.memref_squeeze %dma_wait3A_413 : memref<1x128xi32, #tpu.memory_space<vmem>> -> memref<128xi32, #tpu.memory_space<vmem>>
      %dma_wait3A_415 = arith.constant 0 : i32
      %dma_wait3A_416 = arith.constant 0 : i32
      %dma_wait3A_417 = tpu.memref_slice %arg5[%dma_wait3A_415, %dma_wait3A_416] : memref<50176x64xf32, #tpu.memory_space<hbm>> -> memref<50176x64xf32, #tpu.memory_space<hbm>>
      tpu.wait_indirect_dma semaphore(%arg18 : memref<!tpu.dma_semaphore, #tpu.memory_space<semaphore_mem>>) src(%dma_wait3A_417 : memref<50176x64xf32, #tpu.memory_space<hbm>>) dst(%dma_wait3A_411 : memref<128x64xf32, #tpu.memory_space<vmem>>)
      %dma_wait3A_418 = arith.constant 3 : i32
      %dma_wait3A_419 = arith.constant 384 : i32
      %dma_wait3A_420 = arith.constant 0 : i32
      %dma_wait3A_421 = tpu.memref_slice %arg12[%dma_wait3A_419, %dma_wait3A_420] : memref<896x64xf32, #tpu.memory_space<vmem>> -> memref<128x64xf32, #tpu.memory_space<vmem>>
      %dma_wait3A_422 = arith.constant 0 : i32
      %dma_wait3A_423 = tpu.memref_slice %arg10[%dma_wait3A_418, %dma_wait3A_422] : memref<7x128xi32, #tpu.memory_space<vmem>> -> memref<1x128xi32, #tpu.memory_space<vmem>>
      %dma_wait3A_424 = tpu.memref_squeeze %dma_wait3A_423 : memref<1x128xi32, #tpu.memory_space<vmem>> -> memref<128xi32, #tpu.memory_space<vmem>>
      %dma_wait3A_425 = arith.constant 0 : i32
      %dma_wait3A_426 = arith.constant 0 : i32
      %dma_wait3A_427 = tpu.memref_slice %arg5[%dma_wait3A_425, %dma_wait3A_426] : memref<50176x64xf32, #tpu.memory_space<hbm>> -> memref<50176x64xf32, #tpu.memory_space<hbm>>
      tpu.wait_indirect_dma semaphore(%arg18 : memref<!tpu.dma_semaphore, #tpu.memory_space<semaphore_mem>>) src(%dma_wait3A_427 : memref<50176x64xf32, #tpu.memory_space<hbm>>) dst(%dma_wait3A_421 : memref<128x64xf32, #tpu.memory_space<vmem>>)
      %dma_wait3A_428 = arith.constant 4 : i32
      %dma_wait3A_429 = arith.constant 512 : i32
      %dma_wait3A_430 = arith.constant 0 : i32
      %dma_wait3A_431 = tpu.memref_slice %arg12[%dma_wait3A_429, %dma_wait3A_430] : memref<896x64xf32, #tpu.memory_space<vmem>> -> memref<128x64xf32, #tpu.memory_space<vmem>>
      %dma_wait3A_432 = arith.constant 0 : i32
      %dma_wait3A_433 = tpu.memref_slice %arg10[%dma_wait3A_428, %dma_wait3A_432] : memref<7x128xi32, #tpu.memory_space<vmem>> -> memref<1x128xi32, #tpu.memory_space<vmem>>
      %dma_wait3A_434 = tpu.memref_squeeze %dma_wait3A_433 : memref<1x128xi32, #tpu.memory_space<vmem>> -> memref<128xi32, #tpu.memory_space<vmem>>
      %dma_wait3A_435 = arith.constant 0 : i32
      %dma_wait3A_436 = arith.constant 0 : i32
      %dma_wait3A_437 = tpu.memref_slice %arg5[%dma_wait3A_435, %dma_wait3A_436] : memref<50176x64xf32, #tpu.memory_space<hbm>> -> memref<50176x64xf32, #tpu.memory_space<hbm>>
      tpu.wait_indirect_dma semaphore(%arg18 : memref<!tpu.dma_semaphore, #tpu.memory_space<semaphore_mem>>) src(%dma_wait3A_437 : memref<50176x64xf32, #tpu.memory_space<hbm>>) dst(%dma_wait3A_431 : memref<128x64xf32, #tpu.memory_space<vmem>>)
      %dma_wait3A_438 = arith.constant 5 : i32
      %dma_wait3A_439 = arith.constant 640 : i32
      %dma_wait3A_440 = arith.constant 0 : i32
      %dma_wait3A_441 = tpu.memref_slice %arg12[%dma_wait3A_439, %dma_wait3A_440] : memref<896x64xf32, #tpu.memory_space<vmem>> -> memref<128x64xf32, #tpu.memory_space<vmem>>
      %dma_wait3A_442 = arith.constant 0 : i32
      %dma_wait3A_443 = tpu.memref_slice %arg10[%dma_wait3A_438, %dma_wait3A_442] : memref<7x128xi32, #tpu.memory_space<vmem>> -> memref<1x128xi32, #tpu.memory_space<vmem>>
      %dma_wait3A_444 = tpu.memref_squeeze %dma_wait3A_443 : memref<1x128xi32, #tpu.memory_space<vmem>> -> memref<128xi32, #tpu.memory_space<vmem>>
      %dma_wait3A_445 = arith.constant 0 : i32
      %dma_wait3A_446 = arith.constant 0 : i32
      %dma_wait3A_447 = tpu.memref_slice %arg5[%dma_wait3A_445, %dma_wait3A_446] : memref<50176x64xf32, #tpu.memory_space<hbm>> -> memref<50176x64xf32, #tpu.memory_space<hbm>>
      tpu.wait_indirect_dma semaphore(%arg18 : memref<!tpu.dma_semaphore, #tpu.memory_space<semaphore_mem>>) src(%dma_wait3A_447 : memref<50176x64xf32, #tpu.memory_space<hbm>>) dst(%dma_wait3A_441 : memref<128x64xf32, #tpu.memory_space<vmem>>)
      %dma_wait3A_448 = arith.constant 6 : i32
      %dma_wait3A_449 = arith.constant 768 : i32
      %dma_wait3A_450 = arith.constant 0 : i32
      %dma_wait3A_451 = tpu.memref_slice %arg12[%dma_wait3A_449, %dma_wait3A_450] : memref<896x64xf32, #tpu.memory_space<vmem>> -> memref<128x64xf32, #tpu.memory_space<vmem>>
      %dma_wait3A_452 = arith.constant 0 : i32
      %dma_wait3A_453 = tpu.memref_slice %arg10[%dma_wait3A_448, %dma_wait3A_452] : memref<7x128xi32, #tpu.memory_space<vmem>> -> memref<1x128xi32, #tpu.memory_space<vmem>>
      %dma_wait3A_454 = tpu.memref_squeeze %dma_wait3A_453 : memref<1x128xi32, #tpu.memory_space<vmem>> -> memref<128xi32, #tpu.memory_space<vmem>>
      %dma_wait3A_455 = arith.constant 0 : i32
      %dma_wait3A_456 = arith.constant 0 : i32
      %dma_wait3A_457 = tpu.memref_slice %arg5[%dma_wait3A_455, %dma_wait3A_456] : memref<50176x64xf32, #tpu.memory_space<hbm>> -> memref<50176x64xf32, #tpu.memory_space<hbm>>
      tpu.wait_indirect_dma semaphore(%arg18 : memref<!tpu.dma_semaphore, #tpu.memory_space<semaphore_mem>>) src(%dma_wait3A_457 : memref<50176x64xf32, #tpu.memory_space<hbm>>) dst(%dma_wait3A_451 : memref<128x64xf32, #tpu.memory_space<vmem>>)
      %get3A = arith.constant 0 : index
      %get3A_458 = tpu.vector_load %arg16[%get3A] {strides = array<i32>} : memref<16xf32, #tpu.memory_space<vmem>>, vector<16xf32>,
      %parallel_loop3A = arith.constant 0 : i32
      %parallel_loop3A_459 = arith.constant 56 : i32
      %parallel_loop3A_460 = arith.constant 1 : i32
      scf.for %parallel_loop3A_468 = %parallel_loop3A to %parallel_loop3A_459 step %parallel_loop3A_460  : i32 {
        %parallel_loop3A_469 = arith.constant 16 : i32
        %parallel_loop3A_470 = arith.muli %parallel_loop3A_468, %parallel_loop3A_469 : i32
        %parallel_loop3A_471 = vector.broadcast %parallel_loop3A_470 : i32 to vector<16xi32>
        %parallel_loop3A_472 = arith.addi %parallel_loop3A_471, %iota3A : vector<16xi32>
        %parallel_loop3A_473 = arith.constant 0.000000e+00 : f32
        %parallel_loop3A_474 = vector.broadcast %parallel_loop3A_473 : f32 to vector<16xf32>
        %parallel_loop3A_475 = vector.extract_strided_slice %get3A_458 {offsets = [0], sizes = [1], strides = [1]} : vector<16xf32> to vector<1xf32>
        %parallel_loop3A_476 = vector.extract %parallel_loop3A_475[0] : f32 from vector<1xf32>
        %parallel_loop3A_477 = vector.broadcast %parallel_loop3A_476 : f32 to vector<16xf32>
        %parallel_loop3A_478 = arith.addf %parallel_loop3A_474, %parallel_loop3A_477 : vector<16xf32>
        %parallel_loop3A_479 = arith.constant 0.000000e+00 : f32
        %parallel_loop3A_480 = vector.broadcast %parallel_loop3A_479 : f32 to vector<16xf32>
        %parallel_loop3A_481 = vector.extract_strided_slice %get3A_458 {offsets = [1], sizes = [1], strides = [1]} : vector<16xf32> to vector<1xf32>
        %parallel_loop3A_482 = vector.extract %parallel_loop3A_481[0] : f32 from vector<1xf32>
        %parallel_loop3A_483 = vector.broadcast %parallel_loop3A_482 : f32 to vector<16xf32>
        %parallel_loop3A_484 = arith.addf %parallel_loop3A_480, %parallel_loop3A_483 : vector<16xf32>
        %parallel_loop3A_485 = arith.constant 0.000000e+00 : f32
        %parallel_loop3A_486 = vector.broadcast %parallel_loop3A_485 : f32 to vector<16xf32>
        %parallel_loop3A_487 = vector.extract_strided_slice %get3A_458 {offsets = [2], sizes = [1], strides = [1]} : vector<16xf32> to vector<1xf32>
        %parallel_loop3A_488 = vector.extract %parallel_loop3A_487[0] : f32 from vector<1xf32>
        %parallel_loop3A_489 = vector.broadcast %parallel_loop3A_488 : f32 to vector<16xf32>
        %parallel_loop3A_490 = arith.addf %parallel_loop3A_486, %parallel_loop3A_489 : vector<16xf32>
        %parallel_loop3A_491 = arith.constant 0.000000e+00 : f32
        %parallel_loop3A_492 = vector.broadcast %parallel_loop3A_491 : f32 to vector<16xf32>
        %parallel_loop3A_493 = vector.extract_strided_slice %get3A_458 {offsets = [3], sizes = [1], strides = [1]} : vector<16xf32> to vector<1xf32>
        %parallel_loop3A_494 = vector.extract %parallel_loop3A_493[0] : f32 from vector<1xf32>
        %parallel_loop3A_495 = vector.broadcast %parallel_loop3A_494 : f32 to vector<16xf32>
        %parallel_loop3A_496 = arith.addf %parallel_loop3A_492, %parallel_loop3A_495 : vector<16xf32>
        %parallel_loop3A_497 = arith.constant 0.000000e+00 : f32
        %parallel_loop3A_498 = vector.broadcast %parallel_loop3A_497 : f32 to vector<16xf32>
        %parallel_loop3A_499 = vector.extract_strided_slice %get3A_458 {offsets = [4], sizes = [1], strides = [1]} : vector<16xf32> to vector<1xf32>
        %parallel_loop3A_500 = vector.extract %parallel_loop3A_499[0] : f32 from vector<1xf32>
        %parallel_loop3A_501 = vector.broadcast %parallel_loop3A_500 : f32 to vector<16xf32>
        %parallel_loop3A_502 = arith.addf %parallel_loop3A_498, %parallel_loop3A_501 : vector<16xf32>
        %parallel_loop3A_503 = arith.constant 0.000000e+00 : f32
        %parallel_loop3A_504 = vector.broadcast %parallel_loop3A_503 : f32 to vector<16xf32>
        %parallel_loop3A_505 = vector.extract_strided_slice %get3A_458 {offsets = [5], sizes = [1], strides = [1]} : vector<16xf32> to vector<1xf32>
        %parallel_loop3A_506 = vector.extract %parallel_loop3A_505[0] : f32 from vector<1xf32>
        %parallel_loop3A_507 = vector.broadcast %parallel_loop3A_506 : f32 to vector<16xf32>
        %parallel_loop3A_508 = arith.addf %parallel_loop3A_504, %parallel_loop3A_507 : vector<16xf32>
        %parallel_loop3A_509 = arith.constant 0.000000e+00 : f32
        %parallel_loop3A_510 = vector.broadcast %parallel_loop3A_509 : f32 to vector<16xf32>
        %parallel_loop3A_511 = vector.extract_strided_slice %get3A_458 {offsets = [6], sizes = [1], strides = [1]} : vector<16xf32> to vector<1xf32>
        %parallel_loop3A_512 = vector.extract %parallel_loop3A_511[0] : f32 from vector<1xf32>
        %parallel_loop3A_513 = vector.broadcast %parallel_loop3A_512 : f32 to vector<16xf32>
        %parallel_loop3A_514 = arith.addf %parallel_loop3A_510, %parallel_loop3A_513 : vector<16xf32>
        %parallel_loop3A_515 = arith.constant 0.000000e+00 : f32
        %parallel_loop3A_516 = vector.broadcast %parallel_loop3A_515 : f32 to vector<16xf32>
        %parallel_loop3A_517 = vector.extract_strided_slice %get3A_458 {offsets = [7], sizes = [1], strides = [1]} : vector<16xf32> to vector<1xf32>
        %parallel_loop3A_518 = vector.extract %parallel_loop3A_517[0] : f32 from vector<1xf32>
        %parallel_loop3A_519 = vector.broadcast %parallel_loop3A_518 : f32 to vector<16xf32>
        %parallel_loop3A_520 = arith.addf %parallel_loop3A_516, %parallel_loop3A_519 : vector<16xf32>
        %parallel_loop3A_521 = arith.constant 0.000000e+00 : f32
        %parallel_loop3A_522 = vector.broadcast %parallel_loop3A_521 : f32 to vector<16xf32>
        %parallel_loop3A_523 = vector.extract_strided_slice %get3A_458 {offsets = [8], sizes = [1], strides = [1]} : vector<16xf32> to vector<1xf32>
        %parallel_loop3A_524 = vector.extract %parallel_loop3A_523[0] : f32 from vector<1xf32>
        %parallel_loop3A_525 = vector.broadcast %parallel_loop3A_524 : f32 to vector<16xf32>
        %parallel_loop3A_526 = arith.addf %parallel_loop3A_522, %parallel_loop3A_525 : vector<16xf32>
        %parallel_loop3A_527 = arith.constant 0.000000e+00 : f32
        %parallel_loop3A_528 = vector.broadcast %parallel_loop3A_527 : f32 to vector<16xf32>
        %parallel_loop3A_529 = vector.extract_strided_slice %get3A_458 {offsets = [9], sizes = [1], strides = [1]} : vector<16xf32> to vector<1xf32>
        %parallel_loop3A_530 = vector.extract %parallel_loop3A_529[0] : f32 from vector<1xf32>
        %parallel_loop3A_531 = vector.broadcast %parallel_loop3A_530 : f32 to vector<16xf32>
        %parallel_loop3A_532 = arith.addf %parallel_loop3A_528, %parallel_loop3A_531 : vector<16xf32>
        %parallel_loop3A_533 = arith.constant 0.000000e+00 : f32
        %parallel_loop3A_534 = vector.broadcast %parallel_loop3A_533 : f32 to vector<16xf32>
        %parallel_loop3A_535 = vector.extract_strided_slice %get3A_458 {offsets = [10], sizes = [1], strides = [1]} : vector<16xf32> to vector<1xf32>
        %parallel_loop3A_536 = vector.extract %parallel_loop3A_535[0] : f32 from vector<1xf32>
        %parallel_loop3A_537 = vector.broadcast %parallel_loop3A_536 : f32 to vector<16xf32>
        %parallel_loop3A_538 = arith.addf %parallel_loop3A_534, %parallel_loop3A_537 : vector<16xf32>
        %parallel_loop3A_539 = arith.constant 0.000000e+00 : f32
        %parallel_loop3A_540 = vector.broadcast %parallel_loop3A_539 : f32 to vector<16xf32>
        %parallel_loop3A_541 = vector.extract_strided_slice %get3A_458 {offsets = [11], sizes = [1], strides = [1]} : vector<16xf32> to vector<1xf32>
        %parallel_loop3A_542 = vector.extract %parallel_loop3A_541[0] : f32 from vector<1xf32>
        %parallel_loop3A_543 = vector.broadcast %parallel_loop3A_542 : f32 to vector<16xf32>
        %parallel_loop3A_544 = arith.addf %parallel_loop3A_540, %parallel_loop3A_543 : vector<16xf32>
        %parallel_loop3A_545 = arith.constant 0.000000e+00 : f32
        %parallel_loop3A_546 = vector.broadcast %parallel_loop3A_545 : f32 to vector<16xf32>
        %parallel_loop3A_547 = vector.extract_strided_slice %get3A_458 {offsets = [12], sizes = [1], strides = [1]} : vector<16xf32> to vector<1xf32>
        %parallel_loop3A_548 = vector.extract %parallel_loop3A_547[0] : f32 from vector<1xf32>
        %parallel_loop3A_549 = vector.broadcast %parallel_loop3A_548 : f32 to vector<16xf32>
        %parallel_loop3A_550 = arith.addf %parallel_loop3A_546, %parallel_loop3A_549 : vector<16xf32>
        %parallel_loop3A_551 = arith.constant 0.000000e+00 : f32
        %parallel_loop3A_552 = vector.broadcast %parallel_loop3A_551 : f32 to vector<16xf32>
        %parallel_loop3A_553 = vector.extract_strided_slice %get3A_458 {offsets = [13], sizes = [1], strides = [1]} : vector<16xf32> to vector<1xf32>
        %parallel_loop3A_554 = vector.extract %parallel_loop3A_553[0] : f32 from vector<1xf32>
        %parallel_loop3A_555 = vector.broadcast %parallel_loop3A_554 : f32 to vector<16xf32>
        %parallel_loop3A_556 = arith.addf %parallel_loop3A_552, %parallel_loop3A_555 : vector<16xf32>
        %parallel_loop3A_557 = arith.constant 0.000000e+00 : f32
        %parallel_loop3A_558 = vector.broadcast %parallel_loop3A_557 : f32 to vector<16xf32>
        %parallel_loop3A_559 = vector.extract_strided_slice %get3A_458 {offsets = [14], sizes = [1], strides = [1]} : vector<16xf32> to vector<1xf32>
        %parallel_loop3A_560 = vector.extract %parallel_loop3A_559[0] : f32 from vector<1xf32>
        %parallel_loop3A_561 = vector.broadcast %parallel_loop3A_560 : f32 to vector<16xf32>
        %parallel_loop3A_562 = arith.addf %parallel_loop3A_558, %parallel_loop3A_561 : vector<16xf32>
        %parallel_loop3A_563 = arith.constant 0.000000e+00 : f32
        %parallel_loop3A_564 = vector.broadcast %parallel_loop3A_563 : f32 to vector<16xf32>
        %parallel_loop3A_565 = vector.extract_strided_slice %get3A_458 {offsets = [15], sizes = [1], strides = [1]} : vector<16xf32> to vector<1xf32>
        %parallel_loop3A_566 = vector.extract %parallel_loop3A_565[0] : f32 from vector<1xf32>
        %parallel_loop3A_567 = vector.broadcast %parallel_loop3A_566 : f32 to vector<16xf32>
        %parallel_loop3A_568 = arith.addf %parallel_loop3A_564, %parallel_loop3A_567 : vector<16xf32>
        %parallel_loop3A_569 = arith.constant 0 : i32
        %parallel_loop3A_570 = arith.constant 64 : i32
        %parallel_loop3A_571 = arith.constant 1 : i32
        %parallel_loop3A_572:16 = scf.for %parallel_loop3A_637 = %parallel_loop3A_569 to %parallel_loop3A_570 step %parallel_loop3A_571 iter_args(%parallel_loop3A_638 = %parallel_loop3A_478, %parallel_loop3A_639 = %parallel_loop3A_484, %parallel_loop3A_640 = %parallel_loop3A_490, %parallel_loop3A_641 = %parallel_loop3A_496, %parallel_loop3A_642 = %parallel_loop3A_502, %parallel_loop3A_643 = %parallel_loop3A_508, %parallel_loop3A_644 = %parallel_loop3A_514, %parallel_loop3A_645 = %parallel_loop3A_520, %parallel_loop3A_646 = %parallel_loop3A_526, %parallel_loop3A_647 = %parallel_loop3A_532, %parallel_loop3A_648 = %parallel_loop3A_538, %parallel_loop3A_649 = %parallel_loop3A_544, %parallel_loop3A_650 = %parallel_loop3A_550, %parallel_loop3A_651 = %parallel_loop3A_556, %parallel_loop3A_652 = %parallel_loop3A_562, %parallel_loop3A_653 = %parallel_loop3A_568) -> (vector<16xf32>, vector<16xf32>, vector<16xf32>, vector<16xf32>, vector<16xf32>, vector<16xf32>, vector<16xf32>, vector<16xf32>, vector<16xf32>, vector<16xf32>, vector<16xf32>, vector<16xf32>, vector<16xf32>, vector<16xf32>, vector<16xf32>, vector<16xf32>)  : i32 {
          %parallel_loop3A_654 = vector.broadcast %parallel_loop3A_637 : i32 to vector<16xi32>
          %parallel_loop3A_655 = tpu.vector_load_idx %arg12[%parallel_loop3A_472, %parallel_loop3A_654] : memref<896x64xf32, #tpu.memory_space<vmem>>[vector<16xi32>, vector<16xi32>], vector<16xf32>,
          %parallel_loop3A_656 = arith.constant -4.000000e+00 : f32
          %parallel_loop3A_657 = arith.constant 4.000000e+00 : f32
          %parallel_loop3A_658 = vector.broadcast %parallel_loop3A_656 : f32 to vector<16xf32>
          %parallel_loop3A_659 = arith.maximumf %parallel_loop3A_658, %parallel_loop3A_655 : vector<16xf32>
          %parallel_loop3A_660 = vector.broadcast %parallel_loop3A_657 : f32 to vector<16xf32>
          %parallel_loop3A_661 = arith.minimumf %parallel_loop3A_660, %parallel_loop3A_659 : vector<16xf32>
          %parallel_loop3A_662 = arith.mulf %parallel_loop3A_661, %parallel_loop3A_661 : vector<16xf32>
          %parallel_loop3A_663 = arith.mulf %parallel_loop3A_662, %parallel_loop3A_662 : vector<16xf32>
          %parallel_loop3A_664 = arith.mulf %parallel_loop3A_663, %parallel_loop3A_663 : vector<16xf32>
          %parallel_loop3A_665 = arith.constant -0.0664776787 : f32
          %parallel_loop3A_666 = vector.broadcast %parallel_loop3A_665 : f32 to vector<16xf32>
          %parallel_loop3A_667 = arith.mulf %parallel_loop3A_666, %parallel_loop3A_662 : vector<16xf32>
          %parallel_loop3A_668 = arith.constant 3.988390e-01 : f32
          %parallel_loop3A_669 = vector.broadcast %parallel_loop3A_668 : f32 to vector<16xf32>
          %parallel_loop3A_670 = arith.addf %parallel_loop3A_669, %parallel_loop3A_667 : vector<16xf32>
          %parallel_loop3A_671 = arith.constant -0.00110236555 : f32
          %parallel_loop3A_672 = vector.broadcast %parallel_loop3A_671 : f32 to vector<16xf32>
          %parallel_loop3A_673 = arith.mulf %parallel_loop3A_672, %parallel_loop3A_662 : vector<16xf32>
          %parallel_loop3A_674 = arith.constant 0.00987223815 : f32
          %parallel_loop3A_675 = vector.broadcast %parallel_loop3A_674 : f32 to vector<16xf32>
          %parallel_loop3A_676 = arith.addf %parallel_loop3A_675, %parallel_loop3A_673 : vector<16xf32>
          %parallel_loop3A_677 = arith.constant -4.63825472E-6 : f32
          %parallel_loop3A_678 = vector.broadcast %parallel_loop3A_677 : f32 to vector<16xf32>
          %parallel_loop3A_679 = arith.mulf %parallel_loop3A_678, %parallel_loop3A_662 : vector<16xf32>
          %parallel_loop3A_680 = arith.constant 8.79412182E-5 : f32
          %parallel_loop3A_681 = vector.broadcast %parallel_loop3A_680 : f32 to vector<16xf32>
          %parallel_loop3A_682 = arith.addf %parallel_loop3A_681, %parallel_loop3A_679 : vector<16xf32>
          %parallel_loop3A_683 = arith.constant -1.90966953E-9 : f32
          %parallel_loop3A_684 = vector.broadcast %parallel_loop3A_683 : f32 to vector<16xf32>
          %parallel_loop3A_685 = arith.mulf %parallel_loop3A_684, %parallel_loop3A_662 : vector<16xf32>
          %parallel_loop3A_686 = arith.constant 1.42493519E-7 : f32
          %parallel_loop3A_687 = vector.broadcast %parallel_loop3A_686 : f32 to vector<16xf32>
          %parallel_loop3A_688 = arith.addf %parallel_loop3A_687, %parallel_loop3A_685 : vector<16xf32>
          %parallel_loop3A_689 = arith.mulf %parallel_loop3A_676, %parallel_loop3A_663 : vector<16xf32>
          %parallel_loop3A_690 = arith.addf %parallel_loop3A_670, %parallel_loop3A_689 : vector<16xf32>
          %parallel_loop3A_691 = arith.mulf %parallel_loop3A_688, %parallel_loop3A_663 : vector<16xf32>
          %parallel_loop3A_692 = arith.addf %parallel_loop3A_682, %parallel_loop3A_691 : vector<16xf32>
          %parallel_loop3A_693 = arith.mulf %parallel_loop3A_692, %parallel_loop3A_664 : vector<16xf32>
          %parallel_loop3A_694 = arith.addf %parallel_loop3A_690, %parallel_loop3A_693 : vector<16xf32>
          %parallel_loop3A_695 = arith.mulf %parallel_loop3A_661, %parallel_loop3A_694 : vector<16xf32>
          %parallel_loop3A_696 = arith.constant 5.000000e-01 : f32
          %parallel_loop3A_697 = vector.broadcast %parallel_loop3A_696 : f32 to vector<16xf32>
          %parallel_loop3A_698 = arith.addf %parallel_loop3A_697, %parallel_loop3A_695 : vector<16xf32>
          %parallel_loop3A_699 = arith.mulf %parallel_loop3A_655, %parallel_loop3A_698 : vector<16xf32>
          %parallel_loop3A_700 = arith.constant 16 : i32
          %parallel_loop3A_701 = arith.muli %parallel_loop3A_637, %parallel_loop3A_700 : i32
          %parallel_loop3A_702 = arith.index_cast %parallel_loop3A_701 : i32 to index
          %parallel_loop3A_703 = tpu.vector_load %arg15[%parallel_loop3A_702] {strides = array<i32>} : memref<1024xf32, #tpu.memory_space<vmem>>, vector<16xf32>,
          %parallel_loop3A_704 = vector.extract_strided_slice %parallel_loop3A_703 {offsets = [0], sizes = [1], strides = [1]} : vector<16xf32> to vector<1xf32>
          %parallel_loop3A_705 = vector.extract %parallel_loop3A_704[0] : f32 from vector<1xf32>
          %parallel_loop3A_706 = vector.broadcast %parallel_loop3A_705 : f32 to vector<16xf32>
          %parallel_loop3A_707 = arith.mulf %parallel_loop3A_706, %parallel_loop3A_699 : vector<16xf32>
          %parallel_loop3A_708 = arith.addf %parallel_loop3A_638, %parallel_loop3A_707 : vector<16xf32>
          %parallel_loop3A_709 = vector.extract_strided_slice %parallel_loop3A_703 {offsets = [1], sizes = [1], strides = [1]} : vector<16xf32> to vector<1xf32>
          %parallel_loop3A_710 = vector.extract %parallel_loop3A_709[0] : f32 from vector<1xf32>
          %parallel_loop3A_711 = vector.broadcast %parallel_loop3A_710 : f32 to vector<16xf32>
          %parallel_loop3A_712 = arith.mulf %parallel_loop3A_711, %parallel_loop3A_699 : vector<16xf32>
          %parallel_loop3A_713 = arith.addf %parallel_loop3A_639, %parallel_loop3A_712 : vector<16xf32>
          %parallel_loop3A_714 = vector.extract_strided_slice %parallel_loop3A_703 {offsets = [2], sizes = [1], strides = [1]} : vector<16xf32> to vector<1xf32>
          %parallel_loop3A_715 = vector.extract %parallel_loop3A_714[0] : f32 from vector<1xf32>
          %parallel_loop3A_716 = vector.broadcast %parallel_loop3A_715 : f32 to vector<16xf32>
          %parallel_loop3A_717 = arith.mulf %parallel_loop3A_716, %parallel_loop3A_699 : vector<16xf32>
          %parallel_loop3A_718 = arith.addf %parallel_loop3A_640, %parallel_loop3A_717 : vector<16xf32>
          %parallel_loop3A_719 = vector.extract_strided_slice %parallel_loop3A_703 {offsets = [3], sizes = [1], strides = [1]} : vector<16xf32> to vector<1xf32>
          %parallel_loop3A_720 = vector.extract %parallel_loop3A_719[0] : f32 from vector<1xf32>
          %parallel_loop3A_721 = vector.broadcast %parallel_loop3A_720 : f32 to vector<16xf32>
          %parallel_loop3A_722 = arith.mulf %parallel_loop3A_721, %parallel_loop3A_699 : vector<16xf32>
          %parallel_loop3A_723 = arith.addf %parallel_loop3A_641, %parallel_loop3A_722 : vector<16xf32>
          %parallel_loop3A_724 = vector.extract_strided_slice %parallel_loop3A_703 {offsets = [4], sizes = [1], strides = [1]} : vector<16xf32> to vector<1xf32>
          %parallel_loop3A_725 = vector.extract %parallel_loop3A_724[0] : f32 from vector<1xf32>
          %parallel_loop3A_726 = vector.broadcast %parallel_loop3A_725 : f32 to vector<16xf32>
          %parallel_loop3A_727 = arith.mulf %parallel_loop3A_726, %parallel_loop3A_699 : vector<16xf32>
          %parallel_loop3A_728 = arith.addf %parallel_loop3A_642, %parallel_loop3A_727 : vector<16xf32>
          %parallel_loop3A_729 = vector.extract_strided_slice %parallel_loop3A_703 {offsets = [5], sizes = [1], strides = [1]} : vector<16xf32> to vector<1xf32>
          %parallel_loop3A_730 = vector.extract %parallel_loop3A_729[0] : f32 from vector<1xf32>
          %parallel_loop3A_731 = vector.broadcast %parallel_loop3A_730 : f32 to vector<16xf32>
          %parallel_loop3A_732 = arith.mulf %parallel_loop3A_731, %parallel_loop3A_699 : vector<16xf32>
          %parallel_loop3A_733 = arith.addf %parallel_loop3A_643, %parallel_loop3A_732 : vector<16xf32>
          %parallel_loop3A_734 = vector.extract_strided_slice %parallel_loop3A_703 {offsets = [6], sizes = [1], strides = [1]} : vector<16xf32> to vector<1xf32>
          %parallel_loop3A_735 = vector.extract %parallel_loop3A_734[0] : f32 from vector<1xf32>
          %parallel_loop3A_736 = vector.broadcast %parallel_loop3A_735 : f32 to vector<16xf32>
          %parallel_loop3A_737 = arith.mulf %parallel_loop3A_736, %parallel_loop3A_699 : vector<16xf32>
          %parallel_loop3A_738 = arith.addf %parallel_loop3A_644, %parallel_loop3A_737 : vector<16xf32>
          %parallel_loop3A_739 = vector.extract_strided_slice %parallel_loop3A_703 {offsets = [7], sizes = [1], strides = [1]} : vector<16xf32> to vector<1xf32>
          %parallel_loop3A_740 = vector.extract %parallel_loop3A_739[0] : f32 from vector<1xf32>
          %parallel_loop3A_741 = vector.broadcast %parallel_loop3A_740 : f32 to vector<16xf32>
          %parallel_loop3A_742 = arith.mulf %parallel_loop3A_741, %parallel_loop3A_699 : vector<16xf32>
          %parallel_loop3A_743 = arith.addf %parallel_loop3A_645, %parallel_loop3A_742 : vector<16xf32>
          %parallel_loop3A_744 = vector.extract_strided_slice %parallel_loop3A_703 {offsets = [8], sizes = [1], strides = [1]} : vector<16xf32> to vector<1xf32>
          %parallel_loop3A_745 = vector.extract %parallel_loop3A_744[0] : f32 from vector<1xf32>
          %parallel_loop3A_746 = vector.broadcast %parallel_loop3A_745 : f32 to vector<16xf32>
          %parallel_loop3A_747 = arith.mulf %parallel_loop3A_746, %parallel_loop3A_699 : vector<16xf32>
          %parallel_loop3A_748 = arith.addf %parallel_loop3A_646, %parallel_loop3A_747 : vector<16xf32>
          %parallel_loop3A_749 = vector.extract_strided_slice %parallel_loop3A_703 {offsets = [9], sizes = [1], strides = [1]} : vector<16xf32> to vector<1xf32>
          %parallel_loop3A_750 = vector.extract %parallel_loop3A_749[0] : f32 from vector<1xf32>
          %parallel_loop3A_751 = vector.broadcast %parallel_loop3A_750 : f32 to vector<16xf32>
          %parallel_loop3A_752 = arith.mulf %parallel_loop3A_751, %parallel_loop3A_699 : vector<16xf32>
          %parallel_loop3A_753 = arith.addf %parallel_loop3A_647, %parallel_loop3A_752 : vector<16xf32>
          %parallel_loop3A_754 = vector.extract_strided_slice %parallel_loop3A_703 {offsets = [10], sizes = [1], strides = [1]} : vector<16xf32> to vector<1xf32>
          %parallel_loop3A_755 = vector.extract %parallel_loop3A_754[0] : f32 from vector<1xf32>
          %parallel_loop3A_756 = vector.broadcast %parallel_loop3A_755 : f32 to vector<16xf32>
          %parallel_loop3A_757 = arith.mulf %parallel_loop3A_756, %parallel_loop3A_699 : vector<16xf32>
          %parallel_loop3A_758 = arith.addf %parallel_loop3A_648, %parallel_loop3A_757 : vector<16xf32>
          %parallel_loop3A_759 = vector.extract_strided_slice %parallel_loop3A_703 {offsets = [11], sizes = [1], strides = [1]} : vector<16xf32> to vector<1xf32>
          %parallel_loop3A_760 = vector.extract %parallel_loop3A_759[0] : f32 from vector<1xf32>
          %parallel_loop3A_761 = vector.broadcast %parallel_loop3A_760 : f32 to vector<16xf32>
          %parallel_loop3A_762 = arith.mulf %parallel_loop3A_761, %parallel_loop3A_699 : vector<16xf32>
          %parallel_loop3A_763 = arith.addf %parallel_loop3A_649, %parallel_loop3A_762 : vector<16xf32>
          %parallel_loop3A_764 = vector.extract_strided_slice %parallel_loop3A_703 {offsets = [12], sizes = [1], strides = [1]} : vector<16xf32> to vector<1xf32>
          %parallel_loop3A_765 = vector.extract %parallel_loop3A_764[0] : f32 from vector<1xf32>
          %parallel_loop3A_766 = vector.broadcast %parallel_loop3A_765 : f32 to vector<16xf32>
          %parallel_loop3A_767 = arith.mulf %parallel_loop3A_766, %parallel_loop3A_699 : vector<16xf32>
          %parallel_loop3A_768 = arith.addf %parallel_loop3A_650, %parallel_loop3A_767 : vector<16xf32>
          %parallel_loop3A_769 = vector.extract_strided_slice %parallel_loop3A_703 {offsets = [13], sizes = [1], strides = [1]} : vector<16xf32> to vector<1xf32>
          %parallel_loop3A_770 = vector.extract %parallel_loop3A_769[0] : f32 from vector<1xf32>
          %parallel_loop3A_771 = vector.broadcast %parallel_loop3A_770 : f32 to vector<16xf32>
          %parallel_loop3A_772 = arith.mulf %parallel_loop3A_771, %parallel_loop3A_699 : vector<16xf32>
          %parallel_loop3A_773 = arith.addf %parallel_loop3A_651, %parallel_loop3A_772 : vector<16xf32>
          %parallel_loop3A_774 = vector.extract_strided_slice %parallel_loop3A_703 {offsets = [14], sizes = [1], strides = [1]} : vector<16xf32> to vector<1xf32>
          %parallel_loop3A_775 = vector.extract %parallel_loop3A_774[0] : f32 from vector<1xf32>
          %parallel_loop3A_776 = vector.broadcast %parallel_loop3A_775 : f32 to vector<16xf32>
          %parallel_loop3A_777 = arith.mulf %parallel_loop3A_776, %parallel_loop3A_699 : vector<16xf32>
          %parallel_loop3A_778 = arith.addf %parallel_loop3A_652, %parallel_loop3A_777 : vector<16xf32>
          %parallel_loop3A_779 = vector.extract_strided_slice %parallel_loop3A_703 {offsets = [15], sizes = [1], strides = [1]} : vector<16xf32> to vector<1xf32>
          %parallel_loop3A_780 = vector.extract %parallel_loop3A_779[0] : f32 from vector<1xf32>
          %parallel_loop3A_781 = vector.broadcast %parallel_loop3A_780 : f32 to vector<16xf32>
          %parallel_loop3A_782 = arith.mulf %parallel_loop3A_781, %parallel_loop3A_699 : vector<16xf32>
          %parallel_loop3A_783 = arith.addf %parallel_loop3A_653, %parallel_loop3A_782 : vector<16xf32>
          scf.yield %parallel_loop3A_708, %parallel_loop3A_713, %parallel_loop3A_718, %parallel_loop3A_723, %parallel_loop3A_728, %parallel_loop3A_733, %parallel_loop3A_738, %parallel_loop3A_743, %parallel_loop3A_748, %parallel_loop3A_753, %parallel_loop3A_758, %parallel_loop3A_763, %parallel_loop3A_768, %parallel_loop3A_773, %parallel_loop3A_778, %parallel_loop3A_783 : vector<16xf32>, vector<16xf32>, vector<16xf32>, vector<16xf32>, vector<16xf32>, vector<16xf32>, vector<16xf32>, vector<16xf32>, vector<16xf32>, vector<16xf32>, vector<16xf32>, vector<16xf32>, vector<16xf32>, vector<16xf32>, vector<16xf32>, vector<16xf32>
        } {sc.loop_unroll_factor = 2 : i64, sc.parallel_access}
        %parallel_loop3A_573 = arith.constant 0 : i32
        %parallel_loop3A_574 = vector.broadcast %parallel_loop3A_573 : i32 to vector<16xi32>
        %parallel_loop3A_575 = tpu.vector_load_idx %arg13[%parallel_loop3A_472, %parallel_loop3A_574] : memref<896x16xf32, #tpu.memory_space<vmem>>[vector<16xi32>, vector<16xi32>], vector<16xf32>,
        %parallel_loop3A_576 = arith.mulf %parallel_loop3A_572#0, %parallel_loop3A_575 : vector<16xf32>
        tpu.vector_store_idx %arg14[%parallel_loop3A_472, %parallel_loop3A_574], %parallel_loop3A_576 : memref<896x32xf32, #tpu.memory_space<vmem>>[vector<16xi32>, vector<16xi32>], vector<16xf32>,
        %parallel_loop3A_577 = arith.constant 1 : i32
        %parallel_loop3A_578 = vector.broadcast %parallel_loop3A_577 : i32 to vector<16xi32>
        %parallel_loop3A_579 = tpu.vector_load_idx %arg13[%parallel_loop3A_472, %parallel_loop3A_578] : memref<896x16xf32, #tpu.memory_space<vmem>>[vector<16xi32>, vector<16xi32>], vector<16xf32>,
        %parallel_loop3A_580 = arith.mulf %parallel_loop3A_572#1, %parallel_loop3A_579 : vector<16xf32>
        tpu.vector_store_idx %arg14[%parallel_loop3A_472, %parallel_loop3A_578], %parallel_loop3A_580 : memref<896x32xf32, #tpu.memory_space<vmem>>[vector<16xi32>, vector<16xi32>], vector<16xf32>,
        %parallel_loop3A_581 = arith.constant 2 : i32
        %parallel_loop3A_582 = vector.broadcast %parallel_loop3A_581 : i32 to vector<16xi32>
        %parallel_loop3A_583 = tpu.vector_load_idx %arg13[%parallel_loop3A_472, %parallel_loop3A_582] : memref<896x16xf32, #tpu.memory_space<vmem>>[vector<16xi32>, vector<16xi32>], vector<16xf32>,
        %parallel_loop3A_584 = arith.mulf %parallel_loop3A_572#2, %parallel_loop3A_583 : vector<16xf32>
        tpu.vector_store_idx %arg14[%parallel_loop3A_472, %parallel_loop3A_582], %parallel_loop3A_584 : memref<896x32xf32, #tpu.memory_space<vmem>>[vector<16xi32>, vector<16xi32>], vector<16xf32>,
        %parallel_loop3A_585 = arith.constant 3 : i32
        %parallel_loop3A_586 = vector.broadcast %parallel_loop3A_585 : i32 to vector<16xi32>
        %parallel_loop3A_587 = tpu.vector_load_idx %arg13[%parallel_loop3A_472, %parallel_loop3A_586] : memref<896x16xf32, #tpu.memory_space<vmem>>[vector<16xi32>, vector<16xi32>], vector<16xf32>,
        %parallel_loop3A_588 = arith.mulf %parallel_loop3A_572#3, %parallel_loop3A_587 : vector<16xf32>
        tpu.vector_store_idx %arg14[%parallel_loop3A_472, %parallel_loop3A_586], %parallel_loop3A_588 : memref<896x32xf32, #tpu.memory_space<vmem>>[vector<16xi32>, vector<16xi32>], vector<16xf32>,
        %parallel_loop3A_589 = arith.constant 4 : i32
        %parallel_loop3A_590 = vector.broadcast %parallel_loop3A_589 : i32 to vector<16xi32>
        %parallel_loop3A_591 = tpu.vector_load_idx %arg13[%parallel_loop3A_472, %parallel_loop3A_590] : memref<896x16xf32, #tpu.memory_space<vmem>>[vector<16xi32>, vector<16xi32>], vector<16xf32>,
        %parallel_loop3A_592 = arith.mulf %parallel_loop3A_572#4, %parallel_loop3A_591 : vector<16xf32>
        tpu.vector_store_idx %arg14[%parallel_loop3A_472, %parallel_loop3A_590], %parallel_loop3A_592 : memref<896x32xf32, #tpu.memory_space<vmem>>[vector<16xi32>, vector<16xi32>], vector<16xf32>,
        %parallel_loop3A_593 = arith.constant 5 : i32
        %parallel_loop3A_594 = vector.broadcast %parallel_loop3A_593 : i32 to vector<16xi32>
        %parallel_loop3A_595 = tpu.vector_load_idx %arg13[%parallel_loop3A_472, %parallel_loop3A_594] : memref<896x16xf32, #tpu.memory_space<vmem>>[vector<16xi32>, vector<16xi32>], vector<16xf32>,
        %parallel_loop3A_596 = arith.mulf %parallel_loop3A_572#5, %parallel_loop3A_595 : vector<16xf32>
        tpu.vector_store_idx %arg14[%parallel_loop3A_472, %parallel_loop3A_594], %parallel_loop3A_596 : memref<896x32xf32, #tpu.memory_space<vmem>>[vector<16xi32>, vector<16xi32>], vector<16xf32>,
        %parallel_loop3A_597 = arith.constant 6 : i32
        %parallel_loop3A_598 = vector.broadcast %parallel_loop3A_597 : i32 to vector<16xi32>
        %parallel_loop3A_599 = tpu.vector_load_idx %arg13[%parallel_loop3A_472, %parallel_loop3A_598] : memref<896x16xf32, #tpu.memory_space<vmem>>[vector<16xi32>, vector<16xi32>], vector<16xf32>,
        %parallel_loop3A_600 = arith.mulf %parallel_loop3A_572#6, %parallel_loop3A_599 : vector<16xf32>
        tpu.vector_store_idx %arg14[%parallel_loop3A_472, %parallel_loop3A_598], %parallel_loop3A_600 : memref<896x32xf32, #tpu.memory_space<vmem>>[vector<16xi32>, vector<16xi32>], vector<16xf32>,
        %parallel_loop3A_601 = arith.constant 7 : i32
        %parallel_loop3A_602 = vector.broadcast %parallel_loop3A_601 : i32 to vector<16xi32>
        %parallel_loop3A_603 = tpu.vector_load_idx %arg13[%parallel_loop3A_472, %parallel_loop3A_602] : memref<896x16xf32, #tpu.memory_space<vmem>>[vector<16xi32>, vector<16xi32>], vector<16xf32>,
        %parallel_loop3A_604 = arith.mulf %parallel_loop3A_572#7, %parallel_loop3A_603 : vector<16xf32>
        tpu.vector_store_idx %arg14[%parallel_loop3A_472, %parallel_loop3A_602], %parallel_loop3A_604 : memref<896x32xf32, #tpu.memory_space<vmem>>[vector<16xi32>, vector<16xi32>], vector<16xf32>,
        %parallel_loop3A_605 = arith.constant 8 : i32
        %parallel_loop3A_606 = vector.broadcast %parallel_loop3A_605 : i32 to vector<16xi32>
        %parallel_loop3A_607 = tpu.vector_load_idx %arg13[%parallel_loop3A_472, %parallel_loop3A_606] : memref<896x16xf32, #tpu.memory_space<vmem>>[vector<16xi32>, vector<16xi32>], vector<16xf32>,
        %parallel_loop3A_608 = arith.mulf %parallel_loop3A_572#8, %parallel_loop3A_607 : vector<16xf32>
        tpu.vector_store_idx %arg14[%parallel_loop3A_472, %parallel_loop3A_606], %parallel_loop3A_608 : memref<896x32xf32, #tpu.memory_space<vmem>>[vector<16xi32>, vector<16xi32>], vector<16xf32>,
        %parallel_loop3A_609 = arith.constant 9 : i32
        %parallel_loop3A_610 = vector.broadcast %parallel_loop3A_609 : i32 to vector<16xi32>
        %parallel_loop3A_611 = tpu.vector_load_idx %arg13[%parallel_loop3A_472, %parallel_loop3A_610] : memref<896x16xf32, #tpu.memory_space<vmem>>[vector<16xi32>, vector<16xi32>], vector<16xf32>,
        %parallel_loop3A_612 = arith.mulf %parallel_loop3A_572#9, %parallel_loop3A_611 : vector<16xf32>
        tpu.vector_store_idx %arg14[%parallel_loop3A_472, %parallel_loop3A_610], %parallel_loop3A_612 : memref<896x32xf32, #tpu.memory_space<vmem>>[vector<16xi32>, vector<16xi32>], vector<16xf32>,
        %parallel_loop3A_613 = arith.constant 10 : i32
        %parallel_loop3A_614 = vector.broadcast %parallel_loop3A_613 : i32 to vector<16xi32>
        %parallel_loop3A_615 = tpu.vector_load_idx %arg13[%parallel_loop3A_472, %parallel_loop3A_614] : memref<896x16xf32, #tpu.memory_space<vmem>>[vector<16xi32>, vector<16xi32>], vector<16xf32>,
        %parallel_loop3A_616 = arith.mulf %parallel_loop3A_572#10, %parallel_loop3A_615 : vector<16xf32>
        tpu.vector_store_idx %arg14[%parallel_loop3A_472, %parallel_loop3A_614], %parallel_loop3A_616 : memref<896x32xf32, #tpu.memory_space<vmem>>[vector<16xi32>, vector<16xi32>], vector<16xf32>,
        %parallel_loop3A_617 = arith.constant 11 : i32
        %parallel_loop3A_618 = vector.broadcast %parallel_loop3A_617 : i32 to vector<16xi32>
        %parallel_loop3A_619 = tpu.vector_load_idx %arg13[%parallel_loop3A_472, %parallel_loop3A_618] : memref<896x16xf32, #tpu.memory_space<vmem>>[vector<16xi32>, vector<16xi32>], vector<16xf32>,
        %parallel_loop3A_620 = arith.mulf %parallel_loop3A_572#11, %parallel_loop3A_619 : vector<16xf32>
        tpu.vector_store_idx %arg14[%parallel_loop3A_472, %parallel_loop3A_618], %parallel_loop3A_620 : memref<896x32xf32, #tpu.memory_space<vmem>>[vector<16xi32>, vector<16xi32>], vector<16xf32>,
        %parallel_loop3A_621 = arith.constant 12 : i32
        %parallel_loop3A_622 = vector.broadcast %parallel_loop3A_621 : i32 to vector<16xi32>
        %parallel_loop3A_623 = tpu.vector_load_idx %arg13[%parallel_loop3A_472, %parallel_loop3A_622] : memref<896x16xf32, #tpu.memory_space<vmem>>[vector<16xi32>, vector<16xi32>], vector<16xf32>,
        %parallel_loop3A_624 = arith.mulf %parallel_loop3A_572#12, %parallel_loop3A_623 : vector<16xf32>
        tpu.vector_store_idx %arg14[%parallel_loop3A_472, %parallel_loop3A_622], %parallel_loop3A_624 : memref<896x32xf32, #tpu.memory_space<vmem>>[vector<16xi32>, vector<16xi32>], vector<16xf32>,
        %parallel_loop3A_625 = arith.constant 13 : i32
        %parallel_loop3A_626 = vector.broadcast %parallel_loop3A_625 : i32 to vector<16xi32>
        %parallel_loop3A_627 = tpu.vector_load_idx %arg13[%parallel_loop3A_472, %parallel_loop3A_626] : memref<896x16xf32, #tpu.memory_space<vmem>>[vector<16xi32>, vector<16xi32>], vector<16xf32>,
        %parallel_loop3A_628 = arith.mulf %parallel_loop3A_572#13, %parallel_loop3A_627 : vector<16xf32>
        tpu.vector_store_idx %arg14[%parallel_loop3A_472, %parallel_loop3A_626], %parallel_loop3A_628 : memref<896x32xf32, #tpu.memory_space<vmem>>[vector<16xi32>, vector<16xi32>], vector<16xf32>,
        %parallel_loop3A_629 = arith.constant 14 : i32
        %parallel_loop3A_630 = vector.broadcast %parallel_loop3A_629 : i32 to vector<16xi32>
        %parallel_loop3A_631 = tpu.vector_load_idx %arg13[%parallel_loop3A_472, %parallel_loop3A_630] : memref<896x16xf32, #tpu.memory_space<vmem>>[vector<16xi32>, vector<16xi32>], vector<16xf32>,
        %parallel_loop3A_632 = arith.mulf %parallel_loop3A_572#14, %parallel_loop3A_631 : vector<16xf32>
        tpu.vector_store_idx %arg14[%parallel_loop3A_472, %parallel_loop3A_630], %parallel_loop3A_632 : memref<896x32xf32, #tpu.memory_space<vmem>>[vector<16xi32>, vector<16xi32>], vector<16xf32>,
        %parallel_loop3A_633 = arith.constant 15 : i32
        %parallel_loop3A_634 = vector.broadcast %parallel_loop3A_633 : i32 to vector<16xi32>
        %parallel_loop3A_635 = tpu.vector_load_idx %arg13[%parallel_loop3A_472, %parallel_loop3A_634] : memref<896x16xf32, #tpu.memory_space<vmem>>[vector<16xi32>, vector<16xi32>], vector<16xf32>,
        %parallel_loop3A_636 = arith.mulf %parallel_loop3A_572#15, %parallel_loop3A_635 : vector<16xf32>
        tpu.vector_store_idx %arg14[%parallel_loop3A_472, %parallel_loop3A_634], %parallel_loop3A_636 : memref<896x32xf32, #tpu.memory_space<vmem>>[vector<16xi32>, vector<16xi32>], vector<16xf32>,
      } {sc.loop_unroll_factor = 1 : i64, sc.parallel_access}
      %run_scoped3A = arith.constant 0 : i32
      "tpu.region"() ({
        %run_scoped3A_468 = tpu.sem_alloc : memref<!tpu.dma_semaphore, #tpu.memory_space<semaphore_mem>>
        %dma_start3A_469 = arith.constant 0 : i32
        %dma_start3A_470 = arith.constant 0 : i32
        %dma_start3A_471 = tpu.memref_slice %arg14[%dma_start3A_469, %dma_start3A_470] : memref<896x32xf32, #tpu.memory_space<vmem>> -> memref<128x32xf32, #tpu.memory_space<vmem>>
        %dma_start3A_472 = arith.constant 0 : i32
        %dma_start3A_473 = tpu.memref_slice %arg11[%run_scoped3A, %dma_start3A_472] : memref<7x128xi32, #tpu.memory_space<vmem>> -> memref<1x128xi32, #tpu.memory_space<vmem>>
        %dma_start3A_474 = tpu.memref_squeeze %dma_start3A_473 : memref<1x128xi32, #tpu.memory_space<vmem>> -> memref<128xi32, #tpu.memory_space<vmem>>
        %dma_start3A_475 = arith.constant 0 : i32
        %dma_start3A_476 = arith.constant 0 : i32
        %dma_start3A_477 = tpu.memref_slice %arg17[%dma_start3A_475, %dma_start3A_476] : memref<8704x32xf32, #tpu.memory_space<vmem_shared>> -> memref<8704x32xf32, #tpu.memory_space<vmem_shared>>
        tpu.enqueue_indirect_dma source(%dma_start3A_471 : memref<128x32xf32, #tpu.memory_space<vmem>>) target(%dma_start3A_477 : memref<8704x32xf32, #tpu.memory_space<vmem_shared>>) offsets(%dma_start3A_474 : memref<128xi32, #tpu.memory_space<vmem>>) semaphore(%run_scoped3A_468 : memref<!tpu.dma_semaphore, #tpu.memory_space<semaphore_mem>>) {add = true}
        %dma_wait3A_478 = arith.constant 0 : i32
        %dma_wait3A_479 = arith.constant 0 : i32
        %dma_wait3A_480 = tpu.memref_slice %arg14[%dma_wait3A_478, %dma_wait3A_479] : memref<896x32xf32, #tpu.memory_space<vmem>> -> memref<128x32xf32, #tpu.memory_space<vmem>>
        %dma_wait3A_481 = arith.constant 0 : i32
        %dma_wait3A_482 = tpu.memref_slice %arg11[%run_scoped3A, %dma_wait3A_481] : memref<7x128xi32, #tpu.memory_space<vmem>> -> memref<1x128xi32, #tpu.memory_space<vmem>>
        %dma_wait3A_483 = tpu.memref_squeeze %dma_wait3A_482 : memref<1x128xi32, #tpu.memory_space<vmem>> -> memref<128xi32, #tpu.memory_space<vmem>>
        %dma_wait3A_484 = arith.constant 0 : i32
        %dma_wait3A_485 = arith.constant 0 : i32
        %dma_wait3A_486 = tpu.memref_slice %arg17[%dma_wait3A_484, %dma_wait3A_485] : memref<8704x32xf32, #tpu.memory_space<vmem_shared>> -> memref<8704x32xf32, #tpu.memory_space<vmem_shared>>
        tpu.wait_indirect_dma semaphore(%run_scoped3A_468 : memref<!tpu.dma_semaphore, #tpu.memory_space<semaphore_mem>>) src(%dma_wait3A_480 : memref<128x32xf32, #tpu.memory_space<vmem>>) dst(%dma_wait3A_486 : memref<8704x32xf32, #tpu.memory_space<vmem_shared>>)
        tpu.yield
      }) : () -> ()
      %run_scoped3A_461 = arith.constant 1 : i32
      "tpu.region"() ({
        %run_scoped3A_468 = tpu.sem_alloc : memref<!tpu.dma_semaphore, #tpu.memory_space<semaphore_mem>>
        %dma_start3A_469 = arith.constant 128 : i32
        %dma_start3A_470 = arith.constant 0 : i32
        %dma_start3A_471 = tpu.memref_slice %arg14[%dma_start3A_469, %dma_start3A_470] : memref<896x32xf32, #tpu.memory_space<vmem>> -> memref<128x32xf32, #tpu.memory_space<vmem>>
        %dma_start3A_472 = arith.constant 0 : i32
        %dma_start3A_473 = tpu.memref_slice %arg11[%run_scoped3A_461, %dma_start3A_472] : memref<7x128xi32, #tpu.memory_space<vmem>> -> memref<1x128xi32, #tpu.memory_space<vmem>>
        %dma_start3A_474 = tpu.memref_squeeze %dma_start3A_473 : memref<1x128xi32, #tpu.memory_space<vmem>> -> memref<128xi32, #tpu.memory_space<vmem>>
        %dma_start3A_475 = arith.constant 0 : i32
        %dma_start3A_476 = arith.constant 0 : i32
        %dma_start3A_477 = tpu.memref_slice %arg17[%dma_start3A_475, %dma_start3A_476] : memref<8704x32xf32, #tpu.memory_space<vmem_shared>> -> memref<8704x32xf32, #tpu.memory_space<vmem_shared>>
        tpu.enqueue_indirect_dma source(%dma_start3A_471 : memref<128x32xf32, #tpu.memory_space<vmem>>) target(%dma_start3A_477 : memref<8704x32xf32, #tpu.memory_space<vmem_shared>>) offsets(%dma_start3A_474 : memref<128xi32, #tpu.memory_space<vmem>>) semaphore(%run_scoped3A_468 : memref<!tpu.dma_semaphore, #tpu.memory_space<semaphore_mem>>) {add = true}
        %dma_wait3A_478 = arith.constant 128 : i32
        %dma_wait3A_479 = arith.constant 0 : i32
        %dma_wait3A_480 = tpu.memref_slice %arg14[%dma_wait3A_478, %dma_wait3A_479] : memref<896x32xf32, #tpu.memory_space<vmem>> -> memref<128x32xf32, #tpu.memory_space<vmem>>
        %dma_wait3A_481 = arith.constant 0 : i32
        %dma_wait3A_482 = tpu.memref_slice %arg11[%run_scoped3A_461, %dma_wait3A_481] : memref<7x128xi32, #tpu.memory_space<vmem>> -> memref<1x128xi32, #tpu.memory_space<vmem>>
        %dma_wait3A_483 = tpu.memref_squeeze %dma_wait3A_482 : memref<1x128xi32, #tpu.memory_space<vmem>> -> memref<128xi32, #tpu.memory_space<vmem>>
        %dma_wait3A_484 = arith.constant 0 : i32
        %dma_wait3A_485 = arith.constant 0 : i32
        %dma_wait3A_486 = tpu.memref_slice %arg17[%dma_wait3A_484, %dma_wait3A_485] : memref<8704x32xf32, #tpu.memory_space<vmem_shared>> -> memref<8704x32xf32, #tpu.memory_space<vmem_shared>>
        tpu.wait_indirect_dma semaphore(%run_scoped3A_468 : memref<!tpu.dma_semaphore, #tpu.memory_space<semaphore_mem>>) src(%dma_wait3A_480 : memref<128x32xf32, #tpu.memory_space<vmem>>) dst(%dma_wait3A_486 : memref<8704x32xf32, #tpu.memory_space<vmem_shared>>)
        tpu.yield
      }) : () -> ()
      %run_scoped3A_462 = arith.constant 2 : i32
      "tpu.region"() ({
        %run_scoped3A_468 = tpu.sem_alloc : memref<!tpu.dma_semaphore, #tpu.memory_space<semaphore_mem>>
        %dma_start3A_469 = arith.constant 256 : i32
        %dma_start3A_470 = arith.constant 0 : i32
        %dma_start3A_471 = tpu.memref_slice %arg14[%dma_start3A_469, %dma_start3A_470] : memref<896x32xf32, #tpu.memory_space<vmem>> -> memref<128x32xf32, #tpu.memory_space<vmem>>
        %dma_start3A_472 = arith.constant 0 : i32
        %dma_start3A_473 = tpu.memref_slice %arg11[%run_scoped3A_462, %dma_start3A_472] : memref<7x128xi32, #tpu.memory_space<vmem>> -> memref<1x128xi32, #tpu.memory_space<vmem>>
        %dma_start3A_474 = tpu.memref_squeeze %dma_start3A_473 : memref<1x128xi32, #tpu.memory_space<vmem>> -> memref<128xi32, #tpu.memory_space<vmem>>
        %dma_start3A_475 = arith.constant 0 : i32
        %dma_start3A_476 = arith.constant 0 : i32
        %dma_start3A_477 = tpu.memref_slice %arg17[%dma_start3A_475, %dma_start3A_476] : memref<8704x32xf32, #tpu.memory_space<vmem_shared>> -> memref<8704x32xf32, #tpu.memory_space<vmem_shared>>
        tpu.enqueue_indirect_dma source(%dma_start3A_471 : memref<128x32xf32, #tpu.memory_space<vmem>>) target(%dma_start3A_477 : memref<8704x32xf32, #tpu.memory_space<vmem_shared>>) offsets(%dma_start3A_474 : memref<128xi32, #tpu.memory_space<vmem>>) semaphore(%run_scoped3A_468 : memref<!tpu.dma_semaphore, #tpu.memory_space<semaphore_mem>>) {add = true}
        %dma_wait3A_478 = arith.constant 256 : i32
        %dma_wait3A_479 = arith.constant 0 : i32
        %dma_wait3A_480 = tpu.memref_slice %arg14[%dma_wait3A_478, %dma_wait3A_479] : memref<896x32xf32, #tpu.memory_space<vmem>> -> memref<128x32xf32, #tpu.memory_space<vmem>>
        %dma_wait3A_481 = arith.constant 0 : i32
        %dma_wait3A_482 = tpu.memref_slice %arg11[%run_scoped3A_462, %dma_wait3A_481] : memref<7x128xi32, #tpu.memory_space<vmem>> -> memref<1x128xi32, #tpu.memory_space<vmem>>
        %dma_wait3A_483 = tpu.memref_squeeze %dma_wait3A_482 : memref<1x128xi32, #tpu.memory_space<vmem>> -> memref<128xi32, #tpu.memory_space<vmem>>
        %dma_wait3A_484 = arith.constant 0 : i32
        %dma_wait3A_485 = arith.constant 0 : i32
        %dma_wait3A_486 = tpu.memref_slice %arg17[%dma_wait3A_484, %dma_wait3A_485] : memref<8704x32xf32, #tpu.memory_space<vmem_shared>> -> memref<8704x32xf32, #tpu.memory_space<vmem_shared>>
        tpu.wait_indirect_dma semaphore(%run_scoped3A_468 : memref<!tpu.dma_semaphore, #tpu.memory_space<semaphore_mem>>) src(%dma_wait3A_480 : memref<128x32xf32, #tpu.memory_space<vmem>>) dst(%dma_wait3A_486 : memref<8704x32xf32, #tpu.memory_space<vmem_shared>>)
        tpu.yield
      }) : () -> ()
      %run_scoped3A_463 = arith.constant 3 : i32
      "tpu.region"() ({
        %run_scoped3A_468 = tpu.sem_alloc : memref<!tpu.dma_semaphore, #tpu.memory_space<semaphore_mem>>
        %dma_start3A_469 = arith.constant 384 : i32
        %dma_start3A_470 = arith.constant 0 : i32
        %dma_start3A_471 = tpu.memref_slice %arg14[%dma_start3A_469, %dma_start3A_470] : memref<896x32xf32, #tpu.memory_space<vmem>> -> memref<128x32xf32, #tpu.memory_space<vmem>>
        %dma_start3A_472 = arith.constant 0 : i32
        %dma_start3A_473 = tpu.memref_slice %arg11[%run_scoped3A_463, %dma_start3A_472] : memref<7x128xi32, #tpu.memory_space<vmem>> -> memref<1x128xi32, #tpu.memory_space<vmem>>
        %dma_start3A_474 = tpu.memref_squeeze %dma_start3A_473 : memref<1x128xi32, #tpu.memory_space<vmem>> -> memref<128xi32, #tpu.memory_space<vmem>>
        %dma_start3A_475 = arith.constant 0 : i32
        %dma_start3A_476 = arith.constant 0 : i32
        %dma_start3A_477 = tpu.memref_slice %arg17[%dma_start3A_475, %dma_start3A_476] : memref<8704x32xf32, #tpu.memory_space<vmem_shared>> -> memref<8704x32xf32, #tpu.memory_space<vmem_shared>>
        tpu.enqueue_indirect_dma source(%dma_start3A_471 : memref<128x32xf32, #tpu.memory_space<vmem>>) target(%dma_start3A_477 : memref<8704x32xf32, #tpu.memory_space<vmem_shared>>) offsets(%dma_start3A_474 : memref<128xi32, #tpu.memory_space<vmem>>) semaphore(%run_scoped3A_468 : memref<!tpu.dma_semaphore, #tpu.memory_space<semaphore_mem>>) {add = true}
        %dma_wait3A_478 = arith.constant 384 : i32
        %dma_wait3A_479 = arith.constant 0 : i32
        %dma_wait3A_480 = tpu.memref_slice %arg14[%dma_wait3A_478, %dma_wait3A_479] : memref<896x32xf32, #tpu.memory_space<vmem>> -> memref<128x32xf32, #tpu.memory_space<vmem>>
        %dma_wait3A_481 = arith.constant 0 : i32
        %dma_wait3A_482 = tpu.memref_slice %arg11[%run_scoped3A_463, %dma_wait3A_481] : memref<7x128xi32, #tpu.memory_space<vmem>> -> memref<1x128xi32, #tpu.memory_space<vmem>>
        %dma_wait3A_483 = tpu.memref_squeeze %dma_wait3A_482 : memref<1x128xi32, #tpu.memory_space<vmem>> -> memref<128xi32, #tpu.memory_space<vmem>>
        %dma_wait3A_484 = arith.constant 0 : i32
        %dma_wait3A_485 = arith.constant 0 : i32
        %dma_wait3A_486 = tpu.memref_slice %arg17[%dma_wait3A_484, %dma_wait3A_485] : memref<8704x32xf32, #tpu.memory_space<vmem_shared>> -> memref<8704x32xf32, #tpu.memory_space<vmem_shared>>
        tpu.wait_indirect_dma semaphore(%run_scoped3A_468 : memref<!tpu.dma_semaphore, #tpu.memory_space<semaphore_mem>>) src(%dma_wait3A_480 : memref<128x32xf32, #tpu.memory_space<vmem>>) dst(%dma_wait3A_486 : memref<8704x32xf32, #tpu.memory_space<vmem_shared>>)
        tpu.yield
      }) : () -> ()
      %run_scoped3A_464 = arith.constant 4 : i32
      "tpu.region"() ({
        %run_scoped3A_468 = tpu.sem_alloc : memref<!tpu.dma_semaphore, #tpu.memory_space<semaphore_mem>>
        %dma_start3A_469 = arith.constant 512 : i32
        %dma_start3A_470 = arith.constant 0 : i32
        %dma_start3A_471 = tpu.memref_slice %arg14[%dma_start3A_469, %dma_start3A_470] : memref<896x32xf32, #tpu.memory_space<vmem>> -> memref<128x32xf32, #tpu.memory_space<vmem>>
        %dma_start3A_472 = arith.constant 0 : i32
        %dma_start3A_473 = tpu.memref_slice %arg11[%run_scoped3A_464, %dma_start3A_472] : memref<7x128xi32, #tpu.memory_space<vmem>> -> memref<1x128xi32, #tpu.memory_space<vmem>>
        %dma_start3A_474 = tpu.memref_squeeze %dma_start3A_473 : memref<1x128xi32, #tpu.memory_space<vmem>> -> memref<128xi32, #tpu.memory_space<vmem>>
        %dma_start3A_475 = arith.constant 0 : i32
        %dma_start3A_476 = arith.constant 0 : i32
        %dma_start3A_477 = tpu.memref_slice %arg17[%dma_start3A_475, %dma_start3A_476] : memref<8704x32xf32, #tpu.memory_space<vmem_shared>> -> memref<8704x32xf32, #tpu.memory_space<vmem_shared>>
        tpu.enqueue_indirect_dma source(%dma_start3A_471 : memref<128x32xf32, #tpu.memory_space<vmem>>) target(%dma_start3A_477 : memref<8704x32xf32, #tpu.memory_space<vmem_shared>>) offsets(%dma_start3A_474 : memref<128xi32, #tpu.memory_space<vmem>>) semaphore(%run_scoped3A_468 : memref<!tpu.dma_semaphore, #tpu.memory_space<semaphore_mem>>) {add = true}
        %dma_wait3A_478 = arith.constant 512 : i32
        %dma_wait3A_479 = arith.constant 0 : i32
        %dma_wait3A_480 = tpu.memref_slice %arg14[%dma_wait3A_478, %dma_wait3A_479] : memref<896x32xf32, #tpu.memory_space<vmem>> -> memref<128x32xf32, #tpu.memory_space<vmem>>
        %dma_wait3A_481 = arith.constant 0 : i32
        %dma_wait3A_482 = tpu.memref_slice %arg11[%run_scoped3A_464, %dma_wait3A_481] : memref<7x128xi32, #tpu.memory_space<vmem>> -> memref<1x128xi32, #tpu.memory_space<vmem>>
        %dma_wait3A_483 = tpu.memref_squeeze %dma_wait3A_482 : memref<1x128xi32, #tpu.memory_space<vmem>> -> memref<128xi32, #tpu.memory_space<vmem>>
        %dma_wait3A_484 = arith.constant 0 : i32
        %dma_wait3A_485 = arith.constant 0 : i32
        %dma_wait3A_486 = tpu.memref_slice %arg17[%dma_wait3A_484, %dma_wait3A_485] : memref<8704x32xf32, #tpu.memory_space<vmem_shared>> -> memref<8704x32xf32, #tpu.memory_space<vmem_shared>>
        tpu.wait_indirect_dma semaphore(%run_scoped3A_468 : memref<!tpu.dma_semaphore, #tpu.memory_space<semaphore_mem>>) src(%dma_wait3A_480 : memref<128x32xf32, #tpu.memory_space<vmem>>) dst(%dma_wait3A_486 : memref<8704x32xf32, #tpu.memory_space<vmem_shared>>)
        tpu.yield
      }) : () -> ()
      %run_scoped3A_465 = arith.constant 5 : i32
      "tpu.region"() ({
        %run_scoped3A_468 = tpu.sem_alloc : memref<!tpu.dma_semaphore, #tpu.memory_space<semaphore_mem>>
        %dma_start3A_469 = arith.constant 640 : i32
        %dma_start3A_470 = arith.constant 0 : i32
        %dma_start3A_471 = tpu.memref_slice %arg14[%dma_start3A_469, %dma_start3A_470] : memref<896x32xf32, #tpu.memory_space<vmem>> -> memref<128x32xf32, #tpu.memory_space<vmem>>
        %dma_start3A_472 = arith.constant 0 : i32
        %dma_start3A_473 = tpu.memref_slice %arg11[%run_scoped3A_465, %dma_start3A_472] : memref<7x128xi32, #tpu.memory_space<vmem>> -> memref<1x128xi32, #tpu.memory_space<vmem>>
        %dma_start3A_474 = tpu.memref_squeeze %dma_start3A_473 : memref<1x128xi32, #tpu.memory_space<vmem>> -> memref<128xi32, #tpu.memory_space<vmem>>
        %dma_start3A_475 = arith.constant 0 : i32
        %dma_start3A_476 = arith.constant 0 : i32
        %dma_start3A_477 = tpu.memref_slice %arg17[%dma_start3A_475, %dma_start3A_476] : memref<8704x32xf32, #tpu.memory_space<vmem_shared>> -> memref<8704x32xf32, #tpu.memory_space<vmem_shared>>
        tpu.enqueue_indirect_dma source(%dma_start3A_471 : memref<128x32xf32, #tpu.memory_space<vmem>>) target(%dma_start3A_477 : memref<8704x32xf32, #tpu.memory_space<vmem_shared>>) offsets(%dma_start3A_474 : memref<128xi32, #tpu.memory_space<vmem>>) semaphore(%run_scoped3A_468 : memref<!tpu.dma_semaphore, #tpu.memory_space<semaphore_mem>>) {add = true}
        %dma_wait3A_478 = arith.constant 640 : i32
        %dma_wait3A_479 = arith.constant 0 : i32
        %dma_wait3A_480 = tpu.memref_slice %arg14[%dma_wait3A_478, %dma_wait3A_479] : memref<896x32xf32, #tpu.memory_space<vmem>> -> memref<128x32xf32, #tpu.memory_space<vmem>>
        %dma_wait3A_481 = arith.constant 0 : i32
        %dma_wait3A_482 = tpu.memref_slice %arg11[%run_scoped3A_465, %dma_wait3A_481] : memref<7x128xi32, #tpu.memory_space<vmem>> -> memref<1x128xi32, #tpu.memory_space<vmem>>
        %dma_wait3A_483 = tpu.memref_squeeze %dma_wait3A_482 : memref<1x128xi32, #tpu.memory_space<vmem>> -> memref<128xi32, #tpu.memory_space<vmem>>
        %dma_wait3A_484 = arith.constant 0 : i32
        %dma_wait3A_485 = arith.constant 0 : i32
        %dma_wait3A_486 = tpu.memref_slice %arg17[%dma_wait3A_484, %dma_wait3A_485] : memref<8704x32xf32, #tpu.memory_space<vmem_shared>> -> memref<8704x32xf32, #tpu.memory_space<vmem_shared>>
        tpu.wait_indirect_dma semaphore(%run_scoped3A_468 : memref<!tpu.dma_semaphore, #tpu.memory_space<semaphore_mem>>) src(%dma_wait3A_480 : memref<128x32xf32, #tpu.memory_space<vmem>>) dst(%dma_wait3A_486 : memref<8704x32xf32, #tpu.memory_space<vmem_shared>>)
        tpu.yield
      }) : () -> ()
      %run_scoped3A_466 = arith.constant 6 : i32
      "tpu.region"() ({
        %run_scoped3A_468 = tpu.sem_alloc : memref<!tpu.dma_semaphore, #tpu.memory_space<semaphore_mem>>
        %dma_start3A_469 = arith.constant 768 : i32
        %dma_start3A_470 = arith.constant 0 : i32
        %dma_start3A_471 = tpu.memref_slice %arg14[%dma_start3A_469, %dma_start3A_470] : memref<896x32xf32, #tpu.memory_space<vmem>> -> memref<128x32xf32, #tpu.memory_space<vmem>>
        %dma_start3A_472 = arith.constant 0 : i32
        %dma_start3A_473 = tpu.memref_slice %arg11[%run_scoped3A_466, %dma_start3A_472] : memref<7x128xi32, #tpu.memory_space<vmem>> -> memref<1x128xi32, #tpu.memory_space<vmem>>
        %dma_start3A_474 = tpu.memref_squeeze %dma_start3A_473 : memref<1x128xi32, #tpu.memory_space<vmem>> -> memref<128xi32, #tpu.memory_space<vmem>>
        %dma_start3A_475 = arith.constant 0 : i32
        %dma_start3A_476 = arith.constant 0 : i32
        %dma_start3A_477 = tpu.memref_slice %arg17[%dma_start3A_475, %dma_start3A_476] : memref<8704x32xf32, #tpu.memory_space<vmem_shared>> -> memref<8704x32xf32, #tpu.memory_space<vmem_shared>>
        tpu.enqueue_indirect_dma source(%dma_start3A_471 : memref<128x32xf32, #tpu.memory_space<vmem>>) target(%dma_start3A_477 : memref<8704x32xf32, #tpu.memory_space<vmem_shared>>) offsets(%dma_start3A_474 : memref<128xi32, #tpu.memory_space<vmem>>) semaphore(%run_scoped3A_468 : memref<!tpu.dma_semaphore, #tpu.memory_space<semaphore_mem>>) {add = true}
        %dma_wait3A_478 = arith.constant 768 : i32
        %dma_wait3A_479 = arith.constant 0 : i32
        %dma_wait3A_480 = tpu.memref_slice %arg14[%dma_wait3A_478, %dma_wait3A_479] : memref<896x32xf32, #tpu.memory_space<vmem>> -> memref<128x32xf32, #tpu.memory_space<vmem>>
        %dma_wait3A_481 = arith.constant 0 : i32
        %dma_wait3A_482 = tpu.memref_slice %arg11[%run_scoped3A_466, %dma_wait3A_481] : memref<7x128xi32, #tpu.memory_space<vmem>> -> memref<1x128xi32, #tpu.memory_space<vmem>>
        %dma_wait3A_483 = tpu.memref_squeeze %dma_wait3A_482 : memref<1x128xi32, #tpu.memory_space<vmem>> -> memref<128xi32, #tpu.memory_space<vmem>>
        %dma_wait3A_484 = arith.constant 0 : i32
        %dma_wait3A_485 = arith.constant 0 : i32
        %dma_wait3A_486 = tpu.memref_slice %arg17[%dma_wait3A_484, %dma_wait3A_485] : memref<8704x32xf32, #tpu.memory_space<vmem_shared>> -> memref<8704x32xf32, #tpu.memory_space<vmem_shared>>
        tpu.wait_indirect_dma semaphore(%run_scoped3A_468 : memref<!tpu.dma_semaphore, #tpu.memory_space<semaphore_mem>>) src(%dma_wait3A_480 : memref<128x32xf32, #tpu.memory_space<vmem>>) dst(%dma_wait3A_486 : memref<8704x32xf32, #tpu.memory_space<vmem_shared>>)
        tpu.yield
      }) : () -> ()
      %scan3A_467 = arith.constant 0 : i32
      scf.yield %scan3A_467 : i32
    }
    %scan3A_28 = arith.constant 28 : i32
    %barrier3A_29 = arith.constant 0 : index
    tpu.barrier barrier_id(%barrier3A_29)
    %eq3A_30 = arith.constant 0 : i32
    %eq3A_31 = arith.cmpi eq, %arg1, %eq3A_30 : i32
    %convert_element_type3A = arith.extui %eq3A_31 : i1 to i32
    %cond3A = arith.constant 0 : i32
    %cond3A_32 = arith.cmpi ne, %convert_element_type3A, %cond3A : i32
    scf.if %cond3A_32 {
      "tpu.region"() ({
        %run_scoped3A = tpu.sem_alloc : memref<!tpu.dma_semaphore, #tpu.memory_space<semaphore_mem>>
        %dma_start3A = arith.constant 0 : i32
        %dma_start3A_33 = arith.constant 0 : i32
        %dma_start3A_34 = tpu.memref_slice %arg9[%arg0, %dma_start3A, %dma_start3A_33] : memref<2x8704x32xf32, #tpu.memory_space<hbm>> -> memref<1x8704x32xf32, #tpu.memory_space<hbm>>
        %dma_start3A_35 = tpu.memref_squeeze %dma_start3A_34 : memref<1x8704x32xf32, #tpu.memory_space<hbm>> -> memref<8704x32xf32, #tpu.memory_space<hbm>>
        tpu.enqueue_dma source(%arg17 : memref<8704x32xf32, #tpu.memory_space<vmem_shared>>) target(%dma_start3A_35 : memref<8704x32xf32, #tpu.memory_space<hbm>>) target_semaphore(%run_scoped3A : memref<!tpu.dma_semaphore, #tpu.memory_space<semaphore_mem>>)
        %dma_wait3A = arith.constant 0 : i32
        %dma_wait3A_36 = arith.constant 0 : i32
        %dma_wait3A_37 = tpu.memref_slice %arg9[%arg0, %dma_wait3A, %dma_wait3A_36] : memref<2x8704x32xf32, #tpu.memory_space<hbm>> -> memref<1x8704x32xf32, #tpu.memory_space<hbm>>
        %dma_wait3A_38 = tpu.memref_squeeze %dma_wait3A_37 : memref<1x8704x32xf32, #tpu.memory_space<hbm>> -> memref<8704x32xf32, #tpu.memory_space<hbm>>
        tpu.wait_dma2 semaphore(%run_scoped3A : memref<!tpu.dma_semaphore, #tpu.memory_space<semaphore_mem>>) src(%arg17 : memref<8704x32xf32, #tpu.memory_space<vmem_shared>>) dst(%dma_wait3A_38 : memref<8704x32xf32, #tpu.memory_space<hbm>>)
        tpu.yield
      }) : () -> ()
    } else {
    }
    return
  }
}

module attributes {stable_mosaic.version = 14 : i64} {
  func.func @_tables_body(%arg0: i32, %arg1: memref<3136x128xf32, #tpu.memory_space<vmem>>, %arg2: memref<3136x3xf32, #tpu.memory_space<vmem>>, %arg3: memref<128x16xf32, #tpu.memory_space<vmem>>, %arg4: memref<1x16xf32, #tpu.memory_space<vmem>>, %arg5: memref<3x64xf32, #tpu.memory_space<vmem>>, %arg6: memref<3136x16xf32, #tpu.memory_space<vmem>>, %arg7: memref<3136x64xf32, #tpu.memory_space<vmem>>) attributes {dimension_semantics = [#tpu.dimension_semantics<arbitrary>], iteration_bounds = array<i64: 16>, scalar_prefetch = 0 : i64, scratch_operands = 0 : i64, tpu.core_type = #tpu.core_type<tc>, window_params = [{transform_indices = @transform_0, window_bounds = array<i64: 3136, 128>}, {transform_indices = @transform_1, window_bounds = array<i64: 3136, 3>}, {pipeline_mode = #tpu.pipeline_mode<synchronous>, transform_indices = @transform_2, window_bounds = array<i64: 128, 16>}, {pipeline_mode = #tpu.pipeline_mode<synchronous>, transform_indices = @transform_3, window_bounds = array<i64: 1, 16>}, {pipeline_mode = #tpu.pipeline_mode<synchronous>, transform_indices = @transform_4, window_bounds = array<i64: 3, 64>}, {transform_indices = @transform_5, window_bounds = array<i64: 3136, 16>}, {transform_indices = @transform_6, window_bounds = array<i64: 3136, 64>}]} {
    %get3A = arith.constant 0 : index
    %get3A_0 = arith.constant 0 : index
    %get3A_1 = vector.load %arg1[%get3A, %get3A_0] : memref<3136x128xf32, #tpu.memory_space<vmem>>, vector<3136x128xf32>
    %get3A_2 = arith.constant 0 : index
    %get3A_3 = arith.constant 0 : index
    %get3A_4 = vector.load %arg3[%get3A_2, %get3A_3] : memref<128x16xf32, #tpu.memory_space<vmem>>, vector<128x16xf32>
    %dot_general3A = arith.constant dense<0.000000e+00> : vector<3136x16xf32>
    %dot_general3A_5 = tpu.matmul %get3A_1, %get3A_4, %dot_general3A {dimension_numbers = #tpu.dot_dimension_numbers<[1], [0], [0], [1], [0, 0, 1, 1], [], []>, transpose_lhs_hint = false} : vector<3136x128xf32>, vector<128x16xf32>, vector<3136x16xf32> -> vector<3136x16xf32>
    %get3A_6 = arith.constant 0 : index
    %get3A_7 = arith.constant 0 : index
    %get3A_8 = vector.load %arg4[%get3A_6, %get3A_7] : memref<1x16xf32, #tpu.memory_space<vmem>>, vector<1x16xf32>
    %add3A = vector.broadcast %get3A_8 : vector<1x16xf32> to vector<3136x16xf32>
    %add3A_9 = arith.addf %dot_general3A_5, %add3A : vector<3136x16xf32>
    %swap3A = arith.constant 0 : index
    %swap3A_10 = arith.constant 0 : index
    %swap3A_11 = vector.load %arg6[%swap3A, %swap3A_10] : memref<3136x16xf32, #tpu.memory_space<vmem>>, vector<3136x16xf32>
    tpu.vector_store %arg6[%swap3A, %swap3A_10], %add3A_9 {strides = array<i32>} : memref<3136x16xf32, #tpu.memory_space<vmem>>, vector<3136x16xf32>,
    %get3A_12 = arith.constant 0 : index
    %get3A_13 = arith.constant 0 : index
    %get3A_14 = vector.load %arg2[%get3A_12, %get3A_13] : memref<3136x3xf32, #tpu.memory_space<vmem>>, vector<3136x3xf32>
    %get3A_15 = arith.constant 0 : index
    %get3A_16 = arith.constant 0 : index
    %get3A_17 = vector.load %arg5[%get3A_15, %get3A_16] : memref<3x64xf32, #tpu.memory_space<vmem>>, vector<3x64xf32>
    %dot_general3A_18 = arith.constant dense<0.000000e+00> : vector<3136x64xf32>
    %dot_general3A_19 = tpu.matmul %get3A_14, %get3A_17, %dot_general3A_18 {dimension_numbers = #tpu.dot_dimension_numbers<[1], [0], [0], [1], [0, 0, 1, 1], [], []>, transpose_lhs_hint = false} : vector<3136x3xf32>, vector<3x64xf32>, vector<3136x64xf32> -> vector<3136x64xf32>
    %swap3A_20 = arith.constant 0 : index
    %swap3A_21 = arith.constant 0 : index
    %swap3A_22 = vector.load %arg7[%swap3A_20, %swap3A_21] : memref<3136x64xf32, #tpu.memory_space<vmem>>, vector<3136x64xf32>
    tpu.vector_store %arg7[%swap3A_20, %swap3A_21], %dot_general3A_19 {strides = array<i32>} : memref<3136x64xf32, #tpu.memory_space<vmem>>, vector<3136x64xf32>,
    return
  }
  func.func @transform_0(%arg0: i32) -> (i32, i32) {
    %c0_i32 = arith.constant 0 : i32
    %c0_i32_0 = arith.constant 0 : i32
    return %arg0, %c0_i32 : i32, i32
  }
  func.func @transform_1(%arg0: i32) -> (i32, i32) {
    %c0_i32 = arith.constant 0 : i32
    %c0_i32_0 = arith.constant 0 : i32
    return %arg0, %c0_i32 : i32, i32
  }
  func.func @transform_2(%arg0: i32) -> (i32, i32) {
    %c0_i32 = arith.constant 0 : i32
    %c0_i32_0 = arith.constant 0 : i32
    %c0_i32_1 = arith.constant 0 : i32
    return %c0_i32, %c0_i32_0 : i32, i32
  }
  func.func @transform_3(%arg0: i32) -> (i32, i32) {
    %c0_i32 = arith.constant 0 : i32
    %c0_i32_0 = arith.constant 0 : i32
    %c0_i32_1 = arith.constant 0 : i32
    return %c0_i32, %c0_i32_0 : i32, i32
  }
  func.func @transform_4(%arg0: i32) -> (i32, i32) {
    %c0_i32 = arith.constant 0 : i32
    %c0_i32_0 = arith.constant 0 : i32
    %c0_i32_1 = arith.constant 0 : i32
    return %c0_i32, %c0_i32_0 : i32, i32
  }
  func.func @transform_5(%arg0: i32) -> (i32, i32) {
    %c0_i32 = arith.constant 0 : i32
    %c0_i32_0 = arith.constant 0 : i32
    return %arg0, %c0_i32 : i32, i32
  }
  func.func @transform_6(%arg0: i32) -> (i32, i32) {
    %c0_i32 = arith.constant 0 : i32
    %c0_i32_0 = arith.constant 0 : i32
    return %arg0, %c0_i32 : i32, i32
  }
}

module attributes {stable_mosaic.version = 14 : i64} {
  func.func @_atab_body(%arg0: memref<8192x3xf32, #tpu.memory_space<vmem>>, %arg1: memref<3x64xf32, #tpu.memory_space<vmem>>, %arg2: memref<1x64xf32, #tpu.memory_space<vmem>>, %arg3: memref<8192x64xf32, #tpu.memory_space<vmem>>) attributes {dimension_semantics = [], scalar_prefetch = 0 : i64, scratch_operands = 0 : i64, tpu.core_type = #tpu.core_type<tc>} {
    %get3A = arith.constant 0 : index
    %get3A_0 = arith.constant 0 : index
    %get3A_1 = vector.load %arg0[%get3A, %get3A_0] : memref<8192x3xf32, #tpu.memory_space<vmem>>, vector<8192x3xf32>
    %get3A_2 = arith.constant 0 : index
    %get3A_3 = arith.constant 0 : index
    %get3A_4 = vector.load %arg1[%get3A_2, %get3A_3] : memref<3x64xf32, #tpu.memory_space<vmem>>, vector<3x64xf32>
    %dot_general3A = arith.constant dense<0.000000e+00> : vector<8192x64xf32>
    %dot_general3A_5 = tpu.matmul %get3A_1, %get3A_4, %dot_general3A {dimension_numbers = #tpu.dot_dimension_numbers<[1], [0], [0], [1], [0, 0, 1, 1], [], []>, transpose_lhs_hint = false} : vector<8192x3xf32>, vector<3x64xf32>, vector<8192x64xf32> -> vector<8192x64xf32>
    %get3A_6 = arith.constant 0 : index
    %get3A_7 = arith.constant 0 : index
    %get3A_8 = vector.load %arg2[%get3A_6, %get3A_7] : memref<1x64xf32, #tpu.memory_space<vmem>>, vector<1x64xf32>
    %add3A = vector.broadcast %get3A_8 : vector<1x64xf32> to vector<8192x64xf32>
    %add3A_9 = arith.addf %dot_general3A_5, %add3A : vector<8192x64xf32>
    %swap3A = arith.constant 0 : index
    %swap3A_10 = arith.constant 0 : index
    %swap3A_11 = vector.load %arg3[%swap3A, %swap3A_10] : memref<8192x64xf32, #tpu.memory_space<vmem>>, vector<8192x64xf32>
    tpu.vector_store %arg3[%swap3A, %swap3A_10], %add3A_9 {strides = array<i32>} : memref<8192x64xf32, #tpu.memory_space<vmem>>, vector<8192x64xf32>,
    return
  }
}

module attributes {stable_mosaic.version = 14 : i64} {
  func.func @_combine_body(%arg0: memref<2x8704x32xf32, #tpu.memory_space<vmem>>, %arg1: memref<8192x16xf32, #tpu.memory_space<vmem>>) attributes {dimension_semantics = [], scalar_prefetch = 0 : i64, scratch_operands = 0 : i64, tpu.core_type = #tpu.core_type<tc>} {
    %get3A = arith.constant 0 : index
    %get3A_0 = arith.constant 0 : index
    %get3A_1 = arith.constant 0 : index
    %get3A_2 = vector.load %arg0[%get3A, %get3A_0, %get3A_1] : memref<2x8704x32xf32, #tpu.memory_space<vmem>>, vector<1x8704x32xf32>
    %get3A_3 = vector.shape_cast %get3A_2 : vector<1x8704x32xf32> to vector<8704x32xf32>
    %get3A_4 = arith.constant 1 : index
    %get3A_5 = arith.constant 0 : index
    %get3A_6 = arith.constant 0 : index
    %get3A_7 = vector.load %arg0[%get3A_4, %get3A_5, %get3A_6] : memref<2x8704x32xf32, #tpu.memory_space<vmem>>, vector<1x8704x32xf32>
    %get3A_8 = vector.shape_cast %get3A_7 : vector<1x8704x32xf32> to vector<8704x32xf32>
    %add3A = arith.addf %get3A_3, %get3A_8 : vector<8704x32xf32>
    %slice3A = vector.extract_strided_slice %add3A {offsets = [0, 0], sizes = [8192, 16], strides = [1, 1]} : vector<8704x32xf32> to vector<8192x16xf32>
    %slice3A_9 = vector.extract_strided_slice %add3A {offsets = [0, 16], sizes = [8192, 1], strides = [1, 1]} : vector<8704x32xf32> to vector<8192x1xf32>
    %jit3A = arith.constant 1.000000e+00 : f32
    %max3A = vector.broadcast %jit3A : f32 to vector<8192x1xf32>
    %max3A_10 = arith.maximumf %max3A, %slice3A_9 : vector<8192x1xf32>
    %div3A = vector.broadcast %max3A_10 : vector<8192x1xf32> to vector<8192x16xf32>
    %div3A_11 = arith.divf %slice3A, %div3A : vector<8192x16xf32>
    %swap3A = arith.constant 0 : index
    %swap3A_12 = arith.constant 0 : index
    %swap3A_13 = vector.load %arg1[%swap3A, %swap3A_12] : memref<8192x16xf32, #tpu.memory_space<vmem>>, vector<8192x16xf32>
    tpu.vector_store %arg1[%swap3A, %swap3A_12], %div3A_11 {strides = array<i32>} : memref<8192x16xf32, #tpu.memory_space<vmem>>, vector<8192x16xf32>,
    return
  }
}

</mosaic_0001>

<sc_bundles>
// kernel: kernel.6.cloned.1.call-start
scs
__scs_entry_jumppad:
0x0: {  	(pc) =	sbr.rel $0x88, $3  }
0x1: {  	(tag) =	ssettag $0x0;
	lr =	simm.s32 $0x1  }
0x2: {  	[smem:$0x3F96] =	sst lr;
	_ =	strace $0xD0000000  }
0x3: {  	_ = 	snop  }
0x4: {  	_ = 	snop  }
0x5: {  	_ = 	snop  }
0x6: {  	_ = 	snop  }
0x7: {  	_ = 	snop  }
__scs_overlays_trampoline_lowered:
0x8: {  	[smem:$0x3FA5] =	sst s0  }
0x9: {  	[smem:$0x3FA6] =	sst s1  }
0xa: {  	[smem:$0x3FA7] =	sst s2  }
0xb: {  	[smem:$0x3FA8] =	sst s3  }
0xc: {  	[smem:$0x3FA9] =	sst s4  }
0xd: {  	[smem:$0x3FAA] =	sst s5  }
0xe: {  	[smem:$0x3FAB] =	sst s6  }
0xf: {  	[smem:$0x3FAC] =	sst s7  }
0x10: {  	[smem:$0x3FAD] =	sst s8  }
0x11: {  	[smem:$0x3FAE] =	sst s9;
	s0 =	simm.s32 @!p0 $0x0  }
0x12: {  	s1 =	sld [smem:$0x3F94];
	s0 =	simm.s32 @p0 $0x1  }
0x13: {  	[smem:$0x3FAF] =	sst s0;
	s0 =	simm.s32 @!p1 $0x0  }
0x14: {  	s2 =	sld [smem:$0x3F93];
	s0 =	simm.s32 @p1 $0x1  }
0x15: {  	[smem:$0x3FB0] =	sst s0;
	s0 =	simm.s32 @!p2 $0x0  }
0x16: {  	s3 =	sld [smem:$0x3FDB];
	s0 =	simm.s32 @p2 $0x1  }
0x17: {  	s4 =	simm.s32 $0x1BF5;
	[smem:$0x3FB2] =	sst s0  }
0x18: {  	s0 =	sld [smem:$0x3F95];
	_ =	swait.ge [sflag:s4], $0x0  }
0x19: {  	s7 =	sld [smem:$0x3F96]  }
0x1a: {  	s8 =	sadd.s32 $0xFFFFE003, lr  }
0x1b: {  	s9 =	sadd.s32 $0xFFFFFEF7, lr;
	s5 =	simm.s32 $0xFFFFFFFF;
	p2 =	slt.u32 s8, $0xFFFFF086  }
0x1c: {  	p1 =	slt.u32 s9, $0xF7A;
	s5 =	simm.s32 @!p2 $0x0  }
0x1d: {  	s5 =	simm.s32 @p1 $0x1;
	p0 =	seq.s32 s7, s2  }
0x1e: {  	s7 =	smul.u32 @!p0 $0xF7A, s2;
	p2 =	seq.s32 @!p0 s5, $0x0  }
0x1f: {  	s9 =	smul.u32 $0xF7A, s1;
	s8 =	simm.s32 @!p0 $0x1BF5;
	p2 =	por !p2, p0  }
0x20: {  	[sflag:s8] =	ssyncset.s32 @!p0 $0xFFFFF086;
	s6 =	sadd.s32 @!p0 s3, s7;
	s7 =	simm.s32 @!p0 $0x108  }
0x21: {  	s3 =	sadd.s32 s3, s9;
	s6 =	sadd.s32 @!p0 $0x88, s6;
	s7 =	simm.s32 @p2 $0x1082  }
0x22: {  	[simem:s7], [sflag:s8] =	dma.local @!p0 [hbm:s6], $0xF7A  }
0x23: {  	s9 =	sor.u32 $0xD0000000, s2;
	s6 =	simm.s32 $0x108;
	_ =	swait.ge @!p0 [sflag:s8], $0x0  }
0x24: {  	s3 =	sadd.s32 $0x88, s3;
	s6 =	simm.s32 @!p1 $0x1082;
	[sflag:s4] =	ssyncset.s32 $0xFFFFF086  }
0x25: {  	[simem:s6], [sflag:s4] =	dma.local [hbm:s3], $0xF7A  }
0x26: {  	[smem:$0x3F96] =	sst s1;
	(tag) =	ssettag s2;
	_ =	strace s9  }
0x27: {  	s1 =	sld [smem:$0x3FA6]  }
0x28: {  	s2 =	sld [smem:$0x3FA7]  }
0x29: {  	s4 =	sld [smem:$0x3FA9]  }
0x2a: {  	p0 =	seq.s32 s5, $0x0;
	s5 =	sld [smem:$0x3FAA]  }
0x2b: {  	s6 =	sld [smem:$0x3FAB]  }
0x2c: {  	s7 =	sld [smem:$0x3FAC]  }
0x2d: {  	s3 =	simm.s32 $0x108;
	s8 =	sld [smem:$0x3FAD]  }
0x2e: {  	s3 =	simm.s32 @!p0 $0x1082;
	s9 =	sld [smem:$0x3FAE]  }
0x2f: {  	lr =	sadd.s32 s0, s3;
	s0 =	sld [smem:$0x3FA5]  }
0x30: {  	s3 =	sld [smem:$0x3FA8]  }
0x31: {  	[smem:$0x3FB1] =	sst s10  }
0x32: {  	s10 =	sld [smem:$0x3FAF];
	_ =	sdelay $0x3  }
0x33: {  	p0 =	seq.s32 s10, $0x1;
	s10 =	sld [smem:$0x3FB1];
	_ =	sdelay $0x3  }
0x34: {  	[smem:$0x3FB1] =	sst s10  }
0x35: {  	s10 =	sld [smem:$0x3FB0];
	_ =	sdelay $0x3  }
0x36: {  	p1 =	seq.s32 s10, $0x1;
	s10 =	sld [smem:$0x3FB1];
	_ =	sdelay $0x3  }
0x37: {  	[smem:$0x3FB1] =	sst s10  }
0x38: {  	s10 =	sld [smem:$0x3FB2]  }
0x39: {  	_ = 	snop;
	(pc) =	sbr.ind lr, $3  }
0x3a: {  	_ = 	snop  }
0x3b: {  	_ = 	snop  }
0x3c: {  	p2 =	seq.s32 s10, $0x1;
	s10 =	sld [smem:$0x3FB1]  }
0x3d: {  	_ =	shalt  }
0x3e: {  	_ =	shalt  }
0x3f: {  	_ =	shalt  }
0x40: {  	_ =	shalt  }
0x41: {  	_ =	shalt  }
0x42: {  	_ =	shalt  }
0x43: {  	_ =	shalt  }
0x44: {  	_ =	shalt  }
0x45: {  	_ =	shalt  }
0x46: {  	_ =	shalt  }
0x47: {  	_ =	shalt  }
0x48: {  	_ =	shalt  }
0x49: {  	_ =	shalt  }
0x4a: {  	_ =	shalt  }
0x4b: {  	_ =	shalt  }
0x4c: {  	_ =	shalt  }
0x4d: {  	_ =	shalt  }
0x4e: {  	_ =	shalt  }
0x4f: {  	_ =	shalt  }
0x50: {  	_ =	shalt  }
0x51: {  	_ =	shalt  }
0x52: {  	_ =	shalt  }
0x53: {  	_ =	shalt  }
0x54: {  	_ =	shalt  }
0x55: {  	_ =	shalt  }
0x56: {  	_ =	shalt  }
0x57: {  	_ =	shalt  }
0x58: {  	_ =	shalt  }
0x59: {  	_ =	shalt  }
0x5a: {  	_ =	shalt  }
0x5b: {  	_ =	shalt  }
0x5c: {  	_ =	shalt  }
0x5d: {  	_ =	shalt  }
0x5e: {  	_ =	shalt  }
0x5f: {  	_ =	shalt  }
0x60: {  	_ =	shalt  }
0x61: {  	_ =	shalt  }
0x62: {  	_ =	shalt  }
0x63: {  	_ =	shalt  }
0x64: {  	_ =	shalt  }
0x65: {  	_ =	shalt  }
0x66: {  	_ =	shalt  }
0x67: {  	_ =	shalt  }
0x68: {  	_ =	shalt  }
0x69: {  	_ =	shalt  }
0x6a: {  	_ =	shalt  }
0x6b: {  	_ =	shalt  }
0x6c: {  	_ =	shalt  }
0x6d: {  	_ =	shalt  }
0x6e: {  	_ =	shalt  }
0x6f: {  	_ =	shalt  }
0x70: {  	_ =	shalt  }
0x71: {  	_ =	shalt  }
0x72: {  	_ =	shalt  }
0x73: {  	_ =	shalt  }
0x74: {  	_ =	shalt  }
0x75: {  	_ =	shalt  }
0x76: {  	_ =	shalt  }
0x77: {  	_ =	shalt  }
0x78: {  	_ =	shalt  }
0x79: {  	_ =	shalt  }
0x7a: {  	_ =	shalt  }
0x7b: {  	_ =	shalt  }
0x7c: {  	_ =	shalt  }
0x7d: {  	_ =	shalt  }
0x7e: {  	_ =	shalt  }
0x7f: {  	_ =	shalt  }
0x80: {  	_ =	shalt  }
0x81: {  	_ =	shalt  }
0x82: {  	_ =	shalt  }
0x83: {  	_ =	shalt  }
0x84: {  	_ =	shalt  }
0x85: {  	_ =	shalt  }
0x86: {  	_ =	shalt  }
0x87: {  	_ =	shalt  }
.Lfunc_end0:
.L_simem_size_0:
called_computation_lowered:
.L_overlay_start_0:
0x88: {  	s2 =	sld [smem:$0x3FD9]  }
0x89: {  	s3 =	sld [smem:$0x3FFE];
	_ =	sdelay $0x1  }
0x8a: {  	s1 =	srdreg.scid  }
0x8b: {  	s0 =	sand.u32 $0x1, s1  }
0x8c: {  	s17 =	sshll.u32 s0, $0xA;
	s2 =	sadd.s32 s3, s2  }
0x8d: {  	s2 =	sadd.s32 s2, s17  }
0x8e: {  	[smem:$0x3FBD] =	sst s2  }
0x8f: {  	_ = 	snop  }
0x90: {  	s2 =	sld [smem:$0x3FBF]  }
0x91: {  	s18 =	sld [smem:$0x3FD0];
	(tm) =	ssettm $0x1  }
0x92: {  	s4 =	sld [smem:$0x3FFB];
	_ =	sdelay $0x3  }
0x93: {  	_ =	strace s4  }
0x94: {  	s4 =	sld [smem:$0x3FFC];
	_ =	sdelay $0x3  }
0x95: {  	_ =	strace s4  }
0x96: {  	s4 =	sld [smem:$0x3FFD];
	_ =	sdelay $0x3  }
0x97: {  	_ =	strace s4  }
0x98: {  	_ =	strace $0x8FFFFFFF  }
0x99: {  	s19 =	sld [smem:$0x3FDB];
	_ =	sdelay $0x1  }
0x9a: {  	s5 =	simm.s32 $_scs_section_size  }
0x9b: {  	s6 =	simm.s32 $_size__tile_overlayer_lowered;
	s7 =	simm.s32 $_tile_overlayer_lowered  }
0x9c: {  	s22 =	simm.s32 $0x1BFF;
	s21 =	sshll.u32 s7, $0x1;
	s4 =	sadd.s32 s5, s19  }
0x9d: {  	s8 =	simm.s32 $0x0;
	s20 =	sshll.u32 s6, $0x1;
	s6 =	sadd.s32 s21, s4  }
0x9e: {  	[timem:s8], [sflag:s22] =	dma.local [hbm:s6], s20  }
0x9f: {  	_ =	swait.ge [sflag:s22], s20  }
0xa0: {  	s5 =	ssub.s32 $0x0, s20;
	[sflag:s22] =	ssyncset.done $0x0  }
0xa1: {  	[sflag:s22] =	ssyncadd.s32 s5;
	_ =	sdelay $0x1  }
0xa2: {  	s23 =	simm.s32 $0x1B8B  }
0xa3: {  	_ =	swait.ge [sflag:s23], $0x1  }
0xa4: {  	[sflag:s23] =	ssyncset.done $0x0  }
0xa5: {  	s25 =	simm.s32 $0x1B8E;
	s24 =	sld [smem:$0x3FFE];
	[sflag:s23] =	ssyncadd.s32 $0xFFFFFFFF  }
0xa6: {  	s26 =	simm.s32 $execute0_lowered;
	[smem:$0x3FD2] =	sst s25  }
0xa7: {  	s6 =	sshll.u32 s26, $0x1;
	_ =	strace $0x80000046;
	[dreg:$0x1] =	wrdreg $0xFFFFFFFF  }
0xa8: {  	s28 =	simm.s32 $_size_execute0_lowered;
	s4 =	sadd.s32 s4, s6;
	[dreg:$0x0] =	wrdreg $0x0  }
0xa9: {  	s6 =	sshll.u32 s28, $0x1;
	[dreg:$0x2] =	wrdreg s4  }
0xaa: {  	[dreg:$0x3] =	wrdreg s6  }
0xab: {  	[dreg:$0x4] =	wrdreg $0xC0  }
0xac: {  	_ =	task [dreg:s8], $0x5FFFF  }
0xad: {  	[dreg:$0x1] =	wrdreg $0xFFFFFFFF  }
0xae: {  	[dreg:$0x0] =	wrdreg $0x60  }
0xaf: {  	[dreg:$0x2] =	wrdreg s24  }
0xb0: {  	[dreg:$0x3] =	wrdreg s18  }
0xb1: {  	[dreg:$0x4] =	wrdreg s2  }
0xb2: {  	[dreg:$0x5] =	wrdreg $0x193100  }
0xb3: {  	[dreg:$0x6] =	wrdreg $0x9  }
0xb4: {  	_ =	task.clear_ibuf [dreg:s8], $0x7FFFF;
	_ =	strace $0x90000046  }
0xb5: {  	s29 =	simm.s32 $0x9;
	_ =	strace $0x80000048  }
0xb6: {  	_ =	swait.ge [sflag:s29], $0x1  }
0xb7: {  	[sflag:s29] =	ssyncadd.s32 $0xFFFFFFFF  }
0xb8: {  	_ =	strace $0x90000048  }
0xb9: {  	_ =	sfence  }
0xba: {  	s30 =	sld [smem:$0x0];
	_ =	sdelay $0x2  }
0xbb: {  	s31 =	sshll.u32 s1, $0xD;
	s1 =	sshrl.u32 s1, $0x2  }
0xbc: {  	s3 =	sand.u32 $0x4000, s31;
	s1 =	sadd.s32 s1, s30  }
0xbd: {  	s0 =	sor.u32 s3, s0;
	s1 =	sshll.u32 s1, $0x11  }
0xbe: {  	s0 =	sor.u32 s1, s0  }
0xbf: {  	s0 =	sadd.s32 $0x8F2B, s0  }
0xc0: {  	[sflag:s0] =	ssyncadd.remote.s32 $0x1  }
0xc1: {  	_ =	sfence.sel $0xFFFF  }
0xc2: {  	[dreg:$0x0] =	wrdreg $0xFFFFFFFF;
	(pc) =	sbr.abs _section_cstart, $3  }
0xc3: {  	[dreg:$0x1] =	wrdreg $0xFFFFFFFF  }
0xc4: {  	_ =	task.clear_ibuf [dreg:s8], $0x2FFFF;
	_ =	strace $0x9FFFFFFF  }
0xc5: {  	(tm) =	ssettm $0x7FFFFFFF  }
tec
execute0_lowered:
.L_overlay_start_1:
0x0: {  	(tag) =	ssettag $0x1  }
0x1: {  	s0 =	rddreg [dreg:$0x0]  }
0x2: {  	s3 =	rddreg [dreg:$0x3]  }
0x3: {  	s1 =	simm.s32 $0x0;
	s22 =	srdreg.scid;
	s4 =	stileid.u32  }
0x4: {  	s15 =	simm.s32 $0x2;
	s17 =	simm.s32 $0x11F00;
	s18 =	simm.s32 $0x380  }
0x5: {  	s19 =	simm.s32 $0x80;
	s20 =	simm.s32 $0x700;
	s21 =	simm.s32 $0xE700  }
0x6: {  	s28 =	simm.s32 $0x100;
	s30 =	simm.s32 $0x500;
	s31 =	simm.s32 $0x6700  }
0x7: {  	s14 =	simm.s32 $0x8700;
	s16 =	simm.s32 $0x200;
	s12 =	simm.s32 $0xA700  }
0x8: {  	s13 =	simm.s32 $0x280;
	s29 =	simm.s32 $0x680;
	s11 =	simm.s32 $0x0  }
0x9: {  	[smem:$0x7FF] =	sst s1;
	s2 =	sadd.s32 $0xA5800, s0;
	s23 =	sadd.s32 $0x8D000, s0  }
0xa: {  	s1 =	sand.u32 $0x1, s22;
	s7 =	sadd.s32 $0x7C000, s0;
	s8 =	sadd.s32 $0x1800, s0  }
0xb: {  	s9 =	sadd.s32 $0x63800, s0;
	s5 =	smul.u32 $0x11000, s4;
	s6 =	sshll.u32 s4, $0x1  }
0xc: {  	p0 =	sne.s32 s4, $0x0;
	_ =	strace $0x80000047;
	[dreg:$0x5] =	wrdreg s2  }
0xd: {  	s4 =	simm.s32 $0x300;
	[dreg:$0x6] =	wrdreg s23;
	s24 =	smul.u32 $0x8800, s1  }
0xe: {  	s25 =	ssub.s32 $0x2, s1;
	s1 =	sor.u32 s1, s6;
	s23 =	simm.s32 $0x400  }
0xf: {  	s10 =	sshrl.u32 s25, $0x1;
	s5 =	sshrl.u32 s5, $0x2;
	s1 =	smul.u32 $0xC4, s1  }
0x10: {  	s0 =	sadd.s32 s24, s0;
	s2 =	ssub.s32 s25, s10;
	s5 =	sadd.s32 s5, s3  }
0x11: {  	s25 =	simm.s32 $0x480;
	s10 =	simm.s32 $0x600;
	[dreg:$0x7] =	wrdreg s5  }
0x12: {  	v0 =	vimm.f32 $0.0e+00;
	vm0 =	vcmask $0x300;
	s24 =	simm.s32 $0x1;
	[dreg:$0x8] =	wrdreg s1;
	s0 =	sadd.s32 $0xBE000, s0  }
0x13: {  	v1 =	vsel vm0, $0x3F800000, v0;
	s26 =	smax.u32 s2, $0x1;
	s2 =	simm.s32 $0x580;
	[dreg:$0x9] =	wrdreg s0  }
0x14: {  	[tilespmem:$0x1FFF0] =	vst v1;
	s1 =	simm.s32 $0xC700;
	[dreg:$0xa] =	wrdreg s26;
	s0 =	simm.s32 $0x180  }
.LBB2_1:
0x15: {  	[dreg:$0xb] =	wrdreg s11  }
0x16: {  	s5 =	rddreg [dreg:$0x1];
	s6 =	simm.s32 $0x0;
	s26 =	simm.s32 $0x18F00  }
0x17: {  	[tilespmem:s26], [sflag:$0x2] =	stream.linear.gather [hbm4b:s5+s6], $0x400, $0x38;
	[tilespmem:$0x1D710] =	vst v63  }
0x18: {  	_ =	swait.ge [sflag:s15], $0x400  }
0x19: {  	[sflag:s15] =	ssyncset.done $0x0  }
0x1a: {  	[sflag:s15] =	ssyncadd.s32 $0xFFFFFC00  }
0x1b: {  	s26 =	simm.s32 $0x19300;
	s22 =	rddreg [dreg:$0x2]  }
0x1c: {  	[tilespmem:s26], [sflag:$0x2] =	stream.linear.gather [hbm4b:s22+s6], $0x10, $0x38;
	[tilespmem:$0x1D710] =	vst v63  }
0x1d: {  	_ =	swait.ge [sflag:s15], $0x10  }
0x1e: {  	[sflag:s15] =	ssyncset.done $0x0  }
0x1f: {  	s5 =	simm.s32 $0x80;
	s6 =	simm.s32 $0x0;
	[sflag:s15] =	ssyncadd.s32 $0xFFFFFFF0  }
.LBB2_2:
0x20: {  	p1 =	sne.s32 s5, $0x1BF80;
	[tilespmem:s6+$0x11F00] =	vst v0;
	s11 =	smov.u32 s5;
	s5 =	sadd.s32 $0x80, s5  }
.Ltmp0:
0x21: {  	[tilespmem:s6+$0x11F10] =	vst v0;
	(pc) =	sbr.rel @p1 .LBB2_2-.Ltmp0, $2  }
0x22: {  	_ =	sdelay $0x2  }
0x23: {  	s6 =	sshra.s32 s11, $0x2  }
0x24: {  	[tilespmem:s6+$0x11F00] =	vst v0  }
0x25: {  	[tilespmem:s6+$0x11F10] =	vst v0;
	s5 =	rddreg [dreg:$0x7]  }
0x26: {  	[spmem:s5] =	stream.linear.scatter [tilespmem:s17], [sflag:$0x2], $0x4400, $0x38;
	[tilespmem:$0x1D710] =	vst v63  }
0x27: {  	_ =	swait.ge [sflag:s15], $0x4400  }
0x28: {  	[sflag:s15] =	ssyncset.done $0x0  }
0x29: {  	[sflag:s15] =	ssyncadd.s32 $0xFFFFBC00  }
0x2a: {  	s6 =	simm.s32 $0x10;
	s5 =	simm.s32 $0xC0;
	[bflag:$0x0] =	sbarrier.arrive $0xFFFF  }
.LBB2_4:
0x2b: {  	p1 =	sne.s32 s5, $0x1BFC0;
	[tilespmem:s6+$0x11F00] =	vst v1;
	s6 =	smov.u32 s5;
	s5 =	sadd.s32 $0x80, s5  }
.Ltmp1:
0x2c: {  	(pc) =	sbr.rel @p1 .LBB2_4-.Ltmp1, $2  }
0x2d: {  	_ =	sdelay $0x2  }
0x2e: {  	s6 =	sshra.s32 s6, $0x2  }
0x2f: {  	[tilespmem:s6+$0x11F00] =	vst v1;
	s5 =	simm.s32 $0x0;
	s6 =	simm.s32 $0x0  }
.LBB2_6:
0x30: {  	s11 =	smul.u32 $0x7, s6  }
0x31: {  	s22 =	rddreg [dreg:$0x8]  }
0x32: {  	s11 =	sadd.s32 s22, s11  }
0x33: {  	s26 =	rddreg [dreg:$0x5];
	s11 =	sshll.u32 s11, $0x4  }
0x34: {  	s22 =	sadd.s32 s26, s11  }
0x35: {  	[tilespmem:s5], [sflag:$0x2] =	stream.linear.gather [hbm4b:s22+s5], $0x380, $0x38;
	[tilespmem:$0x1D710] =	vst v63  }
0x36: {  	_ =	swait.ge [sflag:s15], $0x380  }
0x37: {  	[sflag:s15] =	ssyncset.done $0x0;
	s26 =	rddreg [dreg:$0x6]  }
0x38: {  	[sflag:s15] =	ssyncadd.s32 $0xFFFFFC80;
	s11 =	sadd.s32 s26, s11  }
0x39: {  	[tilespmem:s18], [sflag:$0x2] =	stream.linear.gather [hbm4b:s11+s5], $0x380, $0x38;
	[tilespmem:$0x1D710] =	vst v63  }
0x3a: {  	_ =	swait.ge [sflag:s15], $0x380  }
0x3b: {  	[sflag:s15] =	ssyncset.done $0x0  }
0x3c: {  	[sflag:s15] =	ssyncadd.s32 $0xFFFFFC80  }
0x3d: {  	[tilespmem:s20], [sflag:$0x1] =	stream.indirect.gather [hbm4b:s7+s19], $0x40, s18, s19, $0xb8;
	[tilespmem:$0x1D710] =	vst v63  }
0x3e: {  	_ = 	snop  }
0x3f: {  	[tilespmem:s21], [sflag:$0x1] =	stream.indirect.gather [hbm4b:s9+s19], $0x10, s5, s19, $0xb8;
	[tilespmem:$0x1D710] =	vst v63  }
0x40: {  	s11 =	simm.s32 $0x2700  }
0x41: {  	[tilespmem:s11], [sflag:$0x1] =	stream.indirect.gather [hbm4b:s7+s19], $0x40, s23, s19, $0xb8;
	[tilespmem:$0x1D710] =	vst v63  }
0x42: {  	s23 =	simm.s32 $0xEF00  }
0x43: {  	[tilespmem:s23], [sflag:$0x1] =	stream.indirect.gather [hbm4b:s9+s19], $0x10, s19, s19, $0xb8;
	[tilespmem:$0x1D710] =	vst v63  }
0x44: {  	s22 =	simm.s32 $0x4700  }
0x45: {  	[tilespmem:s22], [sflag:$0x1] =	stream.indirect.gather [hbm4b:s7+s19], $0x40, s25, s19, $0xb8;
	[tilespmem:$0x1D710] =	vst v63  }
0x46: {  	s26 =	simm.s32 $0xF700  }
0x47: {  	[tilespmem:s26], [sflag:$0x1] =	stream.indirect.gather [hbm4b:s9+s19], $0x10, s28, s19, $0xb8;
	[tilespmem:$0x1D710] =	vst v63  }
0x48: {  	_ = 	snop  }
0x49: {  	[tilespmem:s31], [sflag:$0x1] =	stream.indirect.gather [hbm4b:s7+s19], $0x40, s30, s19, $0xb8;
	[tilespmem:$0x1D710] =	vst v63  }
0x4a: {  	s25 =	simm.s32 $0xFF00  }
0x4b: {  	[tilespmem:s25], [sflag:$0x1] =	stream.indirect.gather [hbm4b:s9+s19], $0x10, s0, s19, $0xb8;
	[tilespmem:$0x1D710] =	vst v63  }
0x4c: {  	_ = 	snop  }
0x4d: {  	[tilespmem:s14], [sflag:$0x1] =	stream.indirect.gather [hbm4b:s7+s19], $0x40, s2, s19, $0xb8;
	[tilespmem:$0x1D710] =	vst v63  }
0x4e: {  	s26 =	simm.s32 $0x10700  }
0x4f: {  	[tilespmem:s26], [sflag:$0x1] =	stream.indirect.gather [hbm4b:s9+s19], $0x10, s16, s19, $0xb8;
	[tilespmem:$0x1D710] =	vst v63  }
0x50: {  	_ = 	snop  }
0x51: {  	[tilespmem:s12], [sflag:$0x1] =	stream.indirect.gather [hbm4b:s7+s19], $0x40, s10, s19, $0xb8;
	[tilespmem:$0x1D710] =	vst v63  }
0x52: {  	s25 =	simm.s32 $0x10F00  }
0x53: {  	[tilespmem:s25], [sflag:$0x1] =	stream.indirect.gather [hbm4b:s9+s19], $0x10, s13, s19, $0xb8;
	[tilespmem:$0x1D710] =	vst v63  }
0x54: {  	_ = 	snop  }
0x55: {  	[tilespmem:s1], [sflag:$0x1] =	stream.indirect.gather [hbm4b:s7+s19], $0x40, s29, s19, $0xb8;
	[tilespmem:$0x1D710] =	vst v63  }
0x56: {  	s26 =	simm.s32 $0x11700  }
0x57: {  	[tilespmem:s26], [sflag:$0x1] =	stream.indirect.gather [hbm4b:s9+s19], $0x10, s4, s19, $0xb8;
	[tilespmem:$0x1D710] =	vst v63  }
0x58: {  	_ =	swait.ge [sflag:s24], $0x2000  }
0x59: {  	[sflag:s24] =	ssyncset.done $0x0  }
0x5a: {  	[sflag:s24] =	ssyncadd.s32 $0xFFFFE000  }
0x5b: {  	_ =	swait.ge [sflag:s24], $0x800  }
0x5c: {  	[sflag:s24] =	ssyncset.done $0x0  }
0x5d: {  	[sflag:s24] =	ssyncadd.s32 $0xFFFFF800  }
0x5e: {  	_ =	swait.ge [sflag:s24], $0x2000  }
0x5f: {  	[sflag:s24] =	ssyncset.done $0x0  }
0x60: {  	[sflag:s24] =	ssyncadd.s32 $0xFFFFE000  }
0x61: {  	_ =	swait.ge [sflag:s24], $0x800  }
0x62: {  	[sflag:s24] =	ssyncset.done $0x0  }
0x63: {  	[sflag:s24] =	ssyncadd.s32 $0xFFFFF800  }
0x64: {  	_ =	swait.ge [sflag:s24], $0x2000  }
0x65: {  	[sflag:s24] =	ssyncset.done $0x0  }
0x66: {  	[sflag:s24] =	ssyncadd.s32 $0xFFFFE000  }
0x67: {  	_ =	swait.ge [sflag:s24], $0x800  }
0x68: {  	[sflag:s24] =	ssyncset.done $0x0  }
0x69: {  	[sflag:s24] =	ssyncadd.s32 $0xFFFFF800  }
0x6a: {  	_ =	swait.ge [sflag:s24], $0x2000  }
0x6b: {  	[sflag:s24] =	ssyncset.done $0x0  }
0x6c: {  	[sflag:s24] =	ssyncadd.s32 $0xFFFFE000  }
0x6d: {  	_ =	swait.ge [sflag:s24], $0x800  }
0x6e: {  	[sflag:s24] =	ssyncset.done $0x0  }
0x6f: {  	[sflag:s24] =	ssyncadd.s32 $0xFFFFF800  }
0x70: {  	_ =	swait.ge [sflag:s24], $0x2000  }
0x71: {  	[sflag:s24] =	ssyncset.done $0x0  }
0x72: {  	[sflag:s24] =	ssyncadd.s32 $0xFFFFE000  }
0x73: {  	_ =	swait.ge [sflag:s24], $0x800  }
0x74: {  	[sflag:s24] =	ssyncset.done $0x0  }
0x75: {  	[sflag:s24] =	ssyncadd.s32 $0xFFFFF800  }
0x76: {  	_ =	swait.ge [sflag:s24], $0x2000  }
0x77: {  	[sflag:s24] =	ssyncset.done $0x0  }
0x78: {  	[sflag:s24] =	ssyncadd.s32 $0xFFFFE000  }
0x79: {  	_ =	swait.ge [sflag:s24], $0x800  }
0x7a: {  	[sflag:s24] =	ssyncset.done $0x0  }
0x7b: {  	[sflag:s24] =	ssyncadd.s32 $0xFFFFF800  }
0x7c: {  	_ =	swait.ge [sflag:s24], $0x2000  }
0x7d: {  	[sflag:s24] =	ssyncset.done $0x0  }
0x7e: {  	[sflag:s24] =	ssyncadd.s32 $0xFFFFE000  }
0x7f: {  	_ =	swait.ge [sflag:s24], $0x800  }
0x80: {  	[sflag:s24] =	ssyncset.done $0x0  }
0x81: {  	[sflag:s24] =	ssyncadd.s32 $0xFFFFF800  }
0x82: {  	[tilespmem:s20], [sflag:$0x1] =	stream.indirect.gather.add.f32 [hbm:s8], $0x40, s5, s19, $0xb8;
	[tilespmem:$0x1D710] =	vst v63  }
0x83: {  	_ = 	snop  }
0x84: {  	[tilespmem:s11], [sflag:$0x1] =	stream.indirect.gather.add.f32 [hbm:s8], $0x40, s19, s19, $0xb8;
	[tilespmem:$0x1D710] =	vst v63  }
0x85: {  	_ = 	snop  }
0x86: {  	[tilespmem:s22], [sflag:$0x1] =	stream.indirect.gather.add.f32 [hbm:s8], $0x40, s28, s19, $0xb8;
	[tilespmem:$0x1D710] =	vst v63  }
0x87: {  	_ = 	snop  }
0x88: {  	[tilespmem:s31], [sflag:$0x1] =	stream.indirect.gather.add.f32 [hbm:s8], $0x40, s0, s19, $0xb8;
	[tilespmem:$0x1D710] =	vst v63  }
0x89: {  	_ = 	snop  }
0x8a: {  	[tilespmem:s14], [sflag:$0x1] =	stream.indirect.gather.add.f32 [hbm:s8], $0x40, s16, s19, $0xb8;
	[tilespmem:$0x1D710] =	vst v63  }
0x8b: {  	_ = 	snop  }
0x8c: {  	[tilespmem:s12], [sflag:$0x1] =	stream.indirect.gather.add.f32 [hbm:s8], $0x40, s13, s19, $0xb8;
	[tilespmem:$0x1D710] =	vst v63  }
0x8d: {  	_ = 	snop  }
0x8e: {  	[tilespmem:s1], [sflag:$0x1] =	stream.indirect.gather.add.f32 [hbm:s8], $0x40, s4, s19, $0xb8;
	[tilespmem:$0x1D710] =	vst v63  }
0x8f: {  	_ =	swait.ge [sflag:s24], $0x2000  }
0x90: {  	[sflag:s24] =	ssyncset.done $0x0  }
0x91: {  	[sflag:s24] =	ssyncadd.s32 $0xFFFFE000  }
0x92: {  	_ =	swait.ge [sflag:s24], $0x2000  }
0x93: {  	[sflag:s24] =	ssyncset.done $0x0  }
0x94: {  	[sflag:s24] =	ssyncadd.s32 $0xFFFFE000  }
0x95: {  	_ =	swait.ge [sflag:s24], $0x2000  }
0x96: {  	[sflag:s24] =	ssyncset.done $0x0  }
0x97: {  	[sflag:s24] =	ssyncadd.s32 $0xFFFFE000  }
0x98: {  	_ =	swait.ge [sflag:s24], $0x2000  }
0x99: {  	[sflag:s24] =	ssyncset.done $0x0  }
0x9a: {  	[sflag:s24] =	ssyncadd.s32 $0xFFFFE000  }
0x9b: {  	_ =	swait.ge [sflag:s24], $0x2000  }
0x9c: {  	[sflag:s24] =	ssyncset.done $0x0  }
0x9d: {  	[sflag:s24] =	ssyncadd.s32 $0xFFFFE000  }
0x9e: {  	_ =	swait.ge [sflag:s24], $0x2000  }
0x9f: {  	[sflag:s24] =	ssyncset.done $0x0  }
0xa0: {  	[sflag:s24] =	ssyncadd.s32 $0xFFFFE000  }
0xa1: {  	_ =	swait.ge [sflag:s24], $0x2000  }
0xa2: {  	[sflag:s24] =	ssyncset.done $0x0  }
0xa3: {  	[sflag:s24] =	ssyncadd.s32 $0xFFFFE000  }
0xa4: {  	v0 =	vld [tilespmem:$0x19300];
	_ =	sdelay $0x4  }
0xa5: {  	v0 =	vadd.f32 $0.0e+00, v0;
	_ =	sdelay $0x1  }
0xa6: {  	v1 =	vbroadcast v0, $0x0  }
0xa7: {  	v58 =	vbroadcast v0, $0x1  }
0xa8: {  	v59 =	vbroadcast v0, $0x2;
	v60 =	vbroadcast v0, $0x3;
	[tilespmem:$0x1FF80] =	vst v1  }
0xa9: {  	v61 =	vbroadcast v0, $0x4;
	v62 =	vbroadcast v0, $0x5;
	[tilespmem:$0x1FF90] =	vst v58  }
0xaa: {  	v63 =	vbroadcast v0, $0x6;
	v10 =	vbroadcast v0, $0x7;
	[tilespmem:$0x1FFA0] =	vst v59  }
0xab: {  	v11 =	vbroadcast v0, $0x8;
	v12 =	vbroadcast v0, $0x9;
	[tilespmem:$0x1FFB0] =	vst v60  }
0xac: {  	v13 =	vbroadcast v0, $0xA;
	v14 =	vbroadcast v0, $0xB;
	[tilespmem:$0x1FFC0] =	vst v61  }
0xad: {  	v15 =	vbroadcast v0, $0xC;
	v16 =	vbroadcast v0, $0xD;
	[tilespmem:$0x1FFD0] =	vst v62  }
0xae: {  	s11 =	simm.s32 $0x0;
	v17 =	vbroadcast v0, $0xE;
	v18 =	vbroadcast v0, $0xF;
	[tilespmem:$0x1FFE0] =	vst v63  }
.LBB2_7:
0xaf: {  	s22 =	simm.s32 $0x1  }
0xb0: {  	s23 =	simm.s32 $0x0;
	v0 =	vmov s22  }
0xb1: {  	s26 =	sshll.u32 s11, $0x4;
	v2 =	vlaneseq.u32;
	v1 =	vmov s23;
	v0 =	vand.u32 $0x3F, v0  }
0xb2: {  	v23 =	vor.u32 s26, v2;
	v1 =	vand.u32 $0x3E, v1;
	v0 =	vbroadcast v0, $0x0  }
0xb3: {  	v26 =	vshll.u32 v23, $0x6;
	v1 =	vbroadcast v1, $0x0  }
0xb4: {  	v0 =	vor.u32 v26, v0  }
0xb5: {  	s22 =	simm.s32 $0x18F10;
	v1 =	vor.u32 v26, v1  }
0xb6: {  	v32 =	vld [tilespmem:s22+$0xFFFFFFF0]  }
0xb7: {  	v34 =	vld [tilespmem:s22+$0x0];
	_ =	sdelay $0x1  }
0xb8: {  	v44 =	vld.idx.msk [tilespmem:v0+s20+$0x0], $0xffff  }
0xb9: {  	v1 =	vld.idx.msk [tilespmem:v1+s20+$0x0], $0xffff  }
0xba: {  	v25 =	vbroadcast v32, $0xA;
	v19 =	vbroadcast v32, $0xF  }
0xbb: {  	v30 =	vbroadcast v34, $0x7;
	v21 =	vbroadcast v34, $0x8  }
0xbc: {  	v42 =	vbroadcast v32, $0x3;
	v20 =	vbroadcast v34, $0xC  }
0xbd: {  	v2 =	vbroadcast v32, $0x4;
	v37 =	vbroadcast v34, $0x3  }
0xbe: {  	v33 =	vbroadcast v32, $0x8;
	v0 =	vmax.f32 v44, $-4.000000000e+00;
	v3 =	vmax.f32 v1, $-4.000000000e+00  }
0xbf: {  	v31 =	vbroadcast v34, $0x5;
	v4 =	vmin.f32 v0, $4.000000000e+00;
	v0 =	vmin.f32 v3, $4.000000000e+00  }
0xc0: {  	v22 =	vbroadcast v32, $0xC;
	v5 =	vmul.f32 v0, v0  }
0xc1: {  	v24 =	vbroadcast v34, $0xE;
	v46 =	vbroadcast v34, $0x4  }
0xc2: {  	v29 =	vbroadcast v34, $0xA;
	v7 =	vmul.f32 $1.909669530e-09, v5  }
0xc3: {  	v57 =	vbroadcast v32, $0x7;
	v27 =	vmul.f32 $4.638254720e-06, v5  }
0xc4: {  	v35 =	vmul.f32 v5, v5;
	v36 =	vmul.f32 $1.102365550e-03, v5;
	v7 =	vsub.f32 $1.424935190e-07, v7  }
0xc5: {  	v48 =	vbroadcast v32, $0xD;
	v5 =	vmul.f32 $6.647767870e-02, v5  }
0xc6: {  	v27 =	vsub.f32 $8.794121820e-05, v27;
	v40 =	vsub.f32 $9.872238150e-03, v36;
	v7 =	vmul.f32 v7, v35  }
0xc7: {  	v3 =	vmul.f32 v4, v4;
	v41 =	vmul.f32 v35, v35  }
0xc8: {  	v5 =	vsub.f32 $3.988389970e-01, v5;
	v7 =	vadd.f32 v7, v27;
	v27 =	vmul.f32 v40, v35  }
0xc9: {  	v6 =	vmul.f32 $1.909669530e-09, v3;
	v28 =	vmul.f32 $6.647767870e-02, v3  }
0xca: {  	v38 =	vmul.f32 $4.638254720e-06, v3;
	v7 =	vmul.f32 v7, v41;
	v5 =	vadd.f32 v27, v5  }
0xcb: {  	v39 =	vmul.f32 v3, v3;
	v3 =	vmul.f32 $1.102365550e-03, v3;
	v6 =	vsub.f32 $1.424935190e-07, v6  }
0xcc: {  	v60 =	vbroadcast v32, $0x9;
	v50 =	vbroadcast v32, $0xE;
	v5 =	vadd.f32 v7, v5  }
0xcd: {  	v3 =	vsub.f32 $9.872238150e-03, v3;
	v6 =	vmul.f32 v6, v39;
	v27 =	vsub.f32 $8.794121820e-05, v38  }
0xce: {  	v58 =	vbroadcast v32, $0xB;
	v28 =	vsub.f32 $3.988389970e-01, v28;
	v0 =	vmul.f32 v5, v0  }
0xcf: {  	v55 =	vmul.f32 v39, v39;
	v3 =	vmul.f32 v3, v39;
	v6 =	vadd.f32 v6, v27  }
0xd0: {  	v61 =	vbroadcast v34, $0x1;
	v59 =	vbroadcast v34, $0xB;
	v27 =	vadd.f32 $5.000000000e-01, v0  }
0xd1: {  	v56 =	vbroadcast v34, $0xD;
	v7 =	vadd.f32 v3, v28;
	v6 =	vmul.f32 v6, v55  }
0xd2: {  	v36 =	vbroadcast v34, $0x9;
	v51 =	vmul.f32 v27, v1  }
0xd3: {  	v63 =	vld [tilespmem:$0x1FF90];
	v40 =	vbroadcast v34, $0xF;
	v3 =	vbroadcast v32, $0x5;
	v6 =	vadd.f32 v6, v7  }
0xd4: {  	v28 =	vbroadcast v32, $0x1;
	v62 =	vmul.f32 v51, v2;
	v2 =	vld [tilespmem:$0x1FF80]  }
0xd5: {  	v49 =	vld [tilespmem:$0x1FFB0];
	v1 =	vbroadcast v32, $0x0;
	v27 =	vmul.f32 v6, v4  }
0xd6: {  	v52 =	vmov v14;
	v53 =	vld [tilespmem:$0x1FFA0];
	v5 =	vbroadcast v34, $0x0;
	v7 =	vbroadcast v32, $0x2  }
0xd7: {  	v47 =	vmovc v12;
	v43 =	vmovc v11;
	v45 =	vld [tilespmem:$0x1FFC0];
	v35 =	vmov v15;
	v0 =	vbroadcast v34, $0x2;
	v1 =	vmul.f32 v51, v1  }
0xd8: {  	v41 =	vmovc v13;
	v38 =	vmovc v10;
	v55 =	vld [tilespmem:$0x1FFD0];
	v6 =	vmul.f32 v51, v28;
	v4 =	vmul.f32 v51, v7;
	v7 =	vadd.f32 $5.000000000e-01, v27  }
0xd9: {  	s23 =	simm.s32 $0x2;
	v39 =	vld [tilespmem:$0x1FFE0];
	v54 =	vmul.f32 v51, v22;
	v22 =	vmovc v17;
	v28 =	vmovc v18;
	v27 =	vmov v16;
	v2 =	vadd.f32 v1, v2  }
.LBB2_8:
0xda: {  	p1 =	slt.u32 s23, $0x3E  }
0xdb: {  	v1 =	vadd.f32 v6, v63;
	v3 =	vmul.f32 v51, v3;
	v6 =	vbroadcast v34, $0x6;
	s22 =	sadd.s32 $0x20, s22;
	s25 =	smov.u32 s23;
	s23 =	sadd.s32 $0x2, s23  }
0xdc: {  	v32 =	vbroadcast v32, $0x6;
	v34 =	vmul.f32 v51, v58  }
0xdd: {  	v25 =	vmul.f32 v51, v25;
	v7 =	vmul.f32 v7, v44;
	v3 =	vadd.f32 v3, v55  }
0xde: {  	v44 =	vmul.f32 v51, v60;
	v52 =	vadd.f32 v34, v52;
	v34 =	vmul.f32 v51, v50  }
0xdf: {  	v25 =	vadd.f32 v25, v41;
	v41 =	vmul.f32 v51, v48;
	v48 =	vmul.f32 v7, v59  }
0xe0: {  	v42 =	vmul.f32 v51, v42;
	v47 =	vadd.f32 v44, v47;
	v24 =	vmul.f32 v7, v24  }
0xe1: {  	v50 =	vmul.f32 v51, v57;
	v57 =	vmul.f32 v7, v30;
	v22 =	vadd.f32 v34, v22  }
0xe2: {  	s26 =	sadd.s32 $0x1, s25;
	v30 =	vmul.f32 v51, v33;
	v5 =	vmul.f32 v7, v5;
	v27 =	vadd.f32 v41, v27  }
0xe3: {  	v33 =	vmov s26;
	v32 =	vmul.f32 v51, v32;
	v46 =	vmul.f32 v7, v46  }
0xe4: {  	v19 =	vmul.f32 v51, v19;
	v6 =	vmul.f32 v7, v6;
	v33 =	vand.u32 $0x3F, v33  }
0xe5: {  	v37 =	vmul.f32 v7, v37;
	v33 =	vbroadcast v33, $0x0;
	v34 =	vadd.f32 v42, v49  }
0xe6: {  	v41 =	vmov s25;
	v42 =	vmul.f32 v7, v56;
	v22 =	vadd.f32 v24, v22  }
0xe7: {  	v0 =	vmul.f32 v7, v0;
	v32 =	vadd.f32 v32, v39;
	v24 =	vand.u32 $0x3E, v41  }
0xe8: {  	v4 =	vadd.f32 v4, v53;
	v27 =	vadd.f32 v42, v27;
	v24 =	vbroadcast v24, $0x0  }
0xe9: {  	v33 =	vor.u32 v26, v33;
	v39 =	vadd.f32 v6, v32;
	v6 =	vmul.f32 v7, v29  }
0xea: {  	v29 =	vadd.f32 v54, v35;
	v49 =	vadd.f32 v37, v34;
	v24 =	vor.u32 v26, v24;
	v32 =	vld [tilespmem:s22+$0xFFFFFFF0]  }
0xeb: {  	v51 =	vmul.f32 v7, v21;
	v43 =	vadd.f32 v30, v43;
	v30 =	vmul.f32 v7, v31;
	v34 =	vld [tilespmem:s22+$0x0]  }
0xec: {  	v21 =	vadd.f32 v62, v45;
	v31 =	vmul.f32 v7, v36;
	v35 =	vmul.f32 v7, v20  }
0xed: {  	v28 =	vadd.f32 v19, v28;
	v41 =	vadd.f32 v6, v25;
	v6 =	vmul.f32 v7, v40  }
0xee: {  	v53 =	vadd.f32 v0, v4;
	v45 =	vadd.f32 v46, v21;
	v7 =	vmul.f32 v7, v61;
	v44 =	vld.idx.msk [tilespmem:v33+s20+$0x0], $0xffff  }
0xef: {  	v55 =	vadd.f32 v30, v3;
	v4 =	vld.idx.msk [tilespmem:v24+s20+$0x0], $0xffff;
	v25 =	vbroadcast v32, $0xA;
	v19 =	vbroadcast v32, $0xF  }
0xf0: {  	v47 =	vadd.f32 v31, v47;
	v30 =	vbroadcast v34, $0x7;
	v21 =	vbroadcast v34, $0x8  }
0xf1: {  	v35 =	vadd.f32 v35, v29;
	v42 =	vbroadcast v32, $0x3;
	v20 =	vbroadcast v34, $0xC  }
0xf2: {  	v63 =	vadd.f32 v7, v1;
	v54 =	vbroadcast v32, $0x4;
	v37 =	vbroadcast v34, $0x3  }
0xf3: {  	v1 =	vadd.f32 v5, v2;
	v33 =	vbroadcast v32, $0x8;
	v31 =	vbroadcast v34, $0x5  }
0xf4: {  	v43 =	vadd.f32 v51, v43;
	v56 =	vbroadcast v32, $0xC;
	v0 =	vmax.f32 v44, $-4.000000000e+00  }
0xf5: {  	v28 =	vadd.f32 v6, v28;
	v2 =	vmax.f32 v4, $-4.000000000e+00;
	v7 =	vmin.f32 v0, $4.000000000e+00  }
0xf6: {  	v3 =	vadd.f32 v50, v38;
	v0 =	vmin.f32 v2, $4.000000000e+00;
	v2 =	vmul.f32 v7, v7  }
0xf7: {  	v52 =	vadd.f32 v48, v52;
	v24 =	vbroadcast v34, $0xE;
	v5 =	vmul.f32 v0, v0  }
0xf8: {  	v38 =	vadd.f32 v57, v3;
	v46 =	vbroadcast v34, $0x4;
	v6 =	vmul.f32 $1.909669530e-09, v2  }
0xf9: {  	v29 =	vbroadcast v34, $0xA;
	v3 =	vmul.f32 $1.909669530e-09, v5  }
0xfa: {  	v40 =	vmul.f32 $6.647767870e-02, v2;
	v36 =	vmul.f32 $4.638254720e-06, v5;
	v6 =	vsub.f32 $1.424935190e-07, v6  }
0xfb: {  	v50 =	vmul.f32 $4.638254720e-06, v2;
	v48 =	vmul.f32 v5, v5;
	v3 =	vsub.f32 $1.424935190e-07, v3  }
0xfc: {  	v51 =	vmul.f32 $6.647767870e-02, v5;
	v5 =	vmul.f32 $1.102365550e-03, v5  }
0xfd: {  	v58 =	vmul.f32 v2, v2;
	v57 =	vsub.f32 $8.794121820e-05, v36;
	v3 =	vmul.f32 v3, v48  }
0xfe: {  	v2 =	vmul.f32 $1.102365550e-03, v2;
	v5 =	vsub.f32 $9.872238150e-03, v5;
	v36 =	vbroadcast v34, $0x9  }
0xff: {  	v59 =	vmul.f32 v48, v48;
	v6 =	vmul.f32 v6, v58;
	v3 =	vadd.f32 v3, v57  }
0x100: {  	v2 =	vsub.f32 $9.872238150e-03, v2;
	v51 =	vsub.f32 $3.988389970e-01, v51;
	v5 =	vmul.f32 v5, v48  }
0x101: {  	v40 =	vsub.f32 $3.988389970e-01, v40;
	v50 =	vsub.f32 $8.794121820e-05, v50;
	v3 =	vmul.f32 v3, v59  }
0x102: {  	v2 =	vmul.f32 v2, v58;
	v5 =	vadd.f32 v5, v51;
	v57 =	vbroadcast v32, $0x7  }
0x103: {  	v48 =	vbroadcast v32, $0xD;
	v6 =	vadd.f32 v6, v50;
	v51 =	vmul.f32 v58, v58  }
0x104: {  	v60 =	vbroadcast v32, $0x9;
	v50 =	vbroadcast v32, $0xE;
	v3 =	vadd.f32 v3, v5  }
0x105: {  	v61 =	vbroadcast v34, $0x1;
	v2 =	vadd.f32 v2, v40;
	v58 =	vbroadcast v32, $0xB  }
0x106: {  	v5 =	vbroadcast v34, $0x0;
	v0 =	vmul.f32 v3, v0  }
0x107: {  	v6 =	vmul.f32 v6, v51;
	v3 =	vbroadcast v32, $0x5  }
0x108: {  	v59 =	vbroadcast v34, $0xB;
	v51 =	vadd.f32 $5.000000000e-01, v0;
	v0 =	vbroadcast v34, $0x2  }
0x109: {  	v62 =	vbroadcast v32, $0x1;
	v40 =	vbroadcast v34, $0xF;
	v2 =	vadd.f32 v6, v2  }
.Ltmp2:
0x10a: {  	v51 =	vmul.f32 v51, v4;
	v4 =	vbroadcast v32, $0x0;
	(pc) =	sbr.rel @p1 .LBB2_8-.Ltmp2, $4  }
0x10b: {  	v8 =	vbroadcast v32, $0x2;
	v2 =	vmul.f32 v2, v7  }
0x10c: {  	v9 =	vmul.f32 v51, v4;
	v6 =	vmul.f32 v51, v62  }
0x10d: {  	v7 =	vadd.f32 $5.000000000e-01, v2;
	v4 =	vmul.f32 v51, v8;
	v62 =	vmul.f32 v51, v54  }
0x10e: {  	v54 =	vmul.f32 v51, v56;
	v56 =	vbroadcast v34, $0xD;
	v2 =	vadd.f32 v9, v1  }
0x10f: {  	v1 =	vshll.u32 v23, $0x4;
	_ =	sdelay $0x3  }
0x110: {  	v26 =	vmul.f32 v7, v44  }
0x111: {  	v7 =	vld.idx.msk [tilespmem:v1+s21+$0x0], $0xffff  }
0x112: {  	v5 =	vmul.f32 v26, v5  }
0x113: {  	v23 =	vshll.u32 v23, $0x5  }
0x114: {  	v44 =	vor.u32 $0x1, v1;
	v2 =	vadd.f32 v5, v2;
	_ =	sdelay $0x1  }
0x115: {  	v2 =	vmul.f32 v7, v2;
	_ =	sdelay $0x1  }
0x116: {  	[tilespmem:v23+s17+$0x0] =	vst.idx.msk $0xffff, v2  }
0x117: {  	v2 =	vld.idx.msk [tilespmem:v44+s21+$0x0], $0xffff  }
0x118: {  	v61 =	vmul.f32 v26, v61;
	v44 =	vadd.f32 v6, v63  }
0x119: {  	v63 =	vor.u32 $0x1, v23  }
0x11a: {  	v5 =	vadd.f32 v61, v44;
	v44 =	vor.u32 $0x2, v1;
	_ =	sdelay $0x1  }
0x11b: {  	v2 =	vmul.f32 v2, v5;
	_ =	sdelay $0x1  }
0x11c: {  	[tilespmem:v63+s17+$0x0] =	vst.idx.msk $0xffff, v2  }
0x11d: {  	v2 =	vld.idx.msk [tilespmem:v44+s21+$0x0], $0xffff  }
0x11e: {  	v4 =	vadd.f32 v4, v53;
	v0 =	vmul.f32 v26, v0  }
0x11f: {  	v61 =	vor.u32 $0x2, v23  }
0x120: {  	v0 =	vadd.f32 v0, v4;
	v63 =	vor.u32 $0x3, v1;
	_ =	sdelay $0x1  }
0x121: {  	v0 =	vmul.f32 v2, v0;
	_ =	sdelay $0x1  }
0x122: {  	v7 =	vmul.f32 v51, v42;
	[tilespmem:v61+s17+$0x0] =	vst.idx.msk $0xffff, v0  }
0x123: {  	v0 =	vld.idx.msk [tilespmem:v63+s21+$0x0], $0xffff  }
0x124: {  	v42 =	vmul.f32 v26, v37;
	v2 =	vadd.f32 v7, v49  }
0x125: {  	v44 =	vor.u32 $0x3, v23  }
0x126: {  	v49 =	vor.u32 $0x4, v1;
	v2 =	vadd.f32 v42, v2;
	_ =	sdelay $0x1  }
0x127: {  	v0 =	vmul.f32 v0, v2;
	_ =	sdelay $0x1  }
0x128: {  	[tilespmem:v44+s17+$0x0] =	vst.idx.msk $0xffff, v0  }
0x129: {  	v0 =	vld.idx.msk [tilespmem:v49+s21+$0x0], $0xffff  }
0x12a: {  	v53 =	vmul.f32 v26, v46;
	v61 =	vadd.f32 v62, v45  }
0x12b: {  	v62 =	vor.u32 $0x4, v23  }
0x12c: {  	v63 =	vor.u32 $0x5, v1;
	v2 =	vadd.f32 v53, v61;
	_ =	sdelay $0x1  }
0x12d: {  	v0 =	vmul.f32 v0, v2;
	_ =	sdelay $0x1  }
0x12e: {  	v7 =	vmul.f32 v51, v3;
	[tilespmem:v62+s17+$0x0] =	vst.idx.msk $0xffff, v0  }
0x12f: {  	v0 =	vld.idx.msk [tilespmem:v63+s21+$0x0], $0xffff  }
0x130: {  	v37 =	vmul.f32 v26, v31;
	v2 =	vadd.f32 v7, v55  }
0x131: {  	v42 =	vor.u32 $0x5, v23  }
0x132: {  	v44 =	vor.u32 $0x6, v1;
	v2 =	vadd.f32 v37, v2;
	_ =	sdelay $0x1  }
0x133: {  	v45 =	vbroadcast v32, $0x6;
	v0 =	vmul.f32 v0, v2;
	_ =	sdelay $0x1  }
0x134: {  	v46 =	vbroadcast v34, $0x6;
	v5 =	vmul.f32 v51, v45;
	[tilespmem:v42+s17+$0x0] =	vst.idx.msk $0xffff, v0  }
0x135: {  	v0 =	vld.idx.msk [tilespmem:v44+s21+$0x0], $0xffff  }
0x136: {  	v49 =	vadd.f32 v5, v39;
	v2 =	vmul.f32 v26, v46  }
0x137: {  	v53 =	vor.u32 $0x6, v23  }
0x138: {  	v55 =	vor.u32 $0x7, v1;
	v2 =	vadd.f32 v2, v49;
	_ =	sdelay $0x1  }
0x139: {  	v0 =	vmul.f32 v0, v2;
	_ =	sdelay $0x1  }
0x13a: {  	v61 =	vmul.f32 v51, v57;
	[tilespmem:v53+s17+$0x0] =	vst.idx.msk $0xffff, v0  }
0x13b: {  	v0 =	vld.idx.msk [tilespmem:v55+s21+$0x0], $0xffff  }
0x13c: {  	v62 =	vmul.f32 v26, v30;
	v2 =	vadd.f32 v61, v38  }
0x13d: {  	v63 =	vor.u32 $0x7, v23  }
0x13e: {  	v6 =	vor.u32 $0x8, v1;
	v2 =	vadd.f32 v62, v2;
	_ =	sdelay $0x1  }
0x13f: {  	v0 =	vmul.f32 v0, v2;
	_ =	sdelay $0x1  }
0x140: {  	v7 =	vmul.f32 v51, v33;
	[tilespmem:v63+s17+$0x0] =	vst.idx.msk $0xffff, v0  }
0x141: {  	v0 =	vld.idx.msk [tilespmem:v6+s21+$0x0], $0xffff  }
0x142: {  	v21 =	vmul.f32 v26, v21;
	v2 =	vadd.f32 v7, v43  }
0x143: {  	v30 =	vor.u32 $0x8, v23  }
0x144: {  	v31 =	vor.u32 $0x9, v1;
	v2 =	vadd.f32 v21, v2;
	_ =	sdelay $0x1  }
0x145: {  	v0 =	vmul.f32 v0, v2;
	_ =	sdelay $0x1  }
0x146: {  	v32 =	vmul.f32 v51, v60;
	[tilespmem:v30+s17+$0x0] =	vst.idx.msk $0xffff, v0  }
0x147: {  	v0 =	vld.idx.msk [tilespmem:v31+s21+$0x0], $0xffff  }
0x148: {  	v33 =	vmul.f32 v26, v36;
	v2 =	vadd.f32 v32, v47  }
0x149: {  	v34 =	vor.u32 $0x9, v23  }
0x14a: {  	v36 =	vor.u32 $0xA, v1;
	v2 =	vadd.f32 v33, v2;
	_ =	sdelay $0x1  }
0x14b: {  	v0 =	vmul.f32 v0, v2;
	_ =	sdelay $0x1  }
0x14c: {  	v37 =	vmul.f32 v51, v25;
	[tilespmem:v34+s17+$0x0] =	vst.idx.msk $0xffff, v0  }
0x14d: {  	v0 =	vld.idx.msk [tilespmem:v36+s21+$0x0], $0xffff  }
0x14e: {  	v38 =	vmul.f32 v26, v29;
	v2 =	vadd.f32 v37, v41  }
0x14f: {  	v39 =	vor.u32 $0xA, v23  }
0x150: {  	v41 =	vor.u32 $0xB, v1;
	v2 =	vadd.f32 v38, v2;
	_ =	sdelay $0x1  }
0x151: {  	v0 =	vmul.f32 v0, v2;
	_ =	sdelay $0x1  }
0x152: {  	v42 =	vmul.f32 v51, v58;
	[tilespmem:v39+s17+$0x0] =	vst.idx.msk $0xffff, v0  }
0x153: {  	v0 =	vld.idx.msk [tilespmem:v41+s21+$0x0], $0xffff  }
0x154: {  	v43 =	vmul.f32 v26, v59;
	v2 =	vadd.f32 v42, v52  }
0x155: {  	v44 =	vor.u32 $0xB, v23  }
0x156: {  	v45 =	vor.u32 $0xC, v1;
	v2 =	vadd.f32 v43, v2;
	_ =	sdelay $0x1  }
0x157: {  	v0 =	vmul.f32 v0, v2;
	_ =	sdelay $0x1  }
0x158: {  	[tilespmem:v44+s17+$0x0] =	vst.idx.msk $0xffff, v0  }
0x159: {  	v0 =	vld.idx.msk [tilespmem:v45+s21+$0x0], $0xffff  }
0x15a: {  	v46 =	vadd.f32 v54, v35;
	v47 =	vmul.f32 v26, v20  }
0x15b: {  	v49 =	vor.u32 $0xC, v23  }
0x15c: {  	v52 =	vor.u32 $0xD, v1;
	v2 =	vadd.f32 v47, v46;
	_ =	sdelay $0x1  }
0x15d: {  	v0 =	vmul.f32 v0, v2;
	_ =	sdelay $0x1  }
0x15e: {  	v53 =	vmul.f32 v51, v48;
	[tilespmem:v49+s17+$0x0] =	vst.idx.msk $0xffff, v0  }
0x15f: {  	v0 =	vld.idx.msk [tilespmem:v52+s21+$0x0], $0xffff  }
0x160: {  	v54 =	vmul.f32 v26, v56;
	v2 =	vadd.f32 v53, v27  }
0x161: {  	v55 =	vor.u32 $0xD, v23  }
0x162: {  	v56 =	vor.u32 $0xE, v1;
	v2 =	vadd.f32 v54, v2;
	_ =	sdelay $0x1  }
0x163: {  	v0 =	vmul.f32 v0, v2;
	_ =	sdelay $0x1  }
0x164: {  	v57 =	vmul.f32 v51, v50;
	[tilespmem:v55+s17+$0x0] =	vst.idx.msk $0xffff, v0  }
0x165: {  	v0 =	vld.idx.msk [tilespmem:v56+s21+$0x0], $0xffff  }
0x166: {  	v58 =	vmul.f32 v26, v24;
	v2 =	vadd.f32 v57, v22  }
0x167: {  	v59 =	vor.u32 $0xE, v23  }
0x168: {  	v1 =	vor.u32 $0xF, v1;
	v2 =	vadd.f32 v58, v2;
	_ =	sdelay $0x1  }
0x169: {  	v0 =	vmul.f32 v0, v2;
	_ =	sdelay $0x1  }
0x16a: {  	v60 =	vmul.f32 v51, v19;
	[tilespmem:v59+s17+$0x0] =	vst.idx.msk $0xffff, v0  }
0x16b: {  	v0 =	vld.idx.msk [tilespmem:v1+s21+$0x0], $0xffff  }
0x16c: {  	s11 =	sadd.s32 $0x1, s11;
	v61 =	vadd.f32 v60, v28;
	v62 =	vmul.f32 v26, v40  }
0x16d: {  	p1 =	sne.s32 s11, $0x38;
	v63 =	vor.u32 $0xF, v23  }
.Ltmp3:
0x16e: {  	v1 =	vadd.f32 v62, v61;
	(pc) =	sbr.rel @p1 .LBB2_7-.Ltmp3, $3  }
0x16f: {  	_ = 	snop  }
0x170: {  	v0 =	vmul.f32 v0, v1;
	_ =	sdelay $0x1  }
0x171: {  	[tilespmem:v63+s17+$0x0] =	vst.idx.msk $0xffff, v0  }
0x172: {  	[spmem:s3] =	stream.indirect.scatter.add.f32 [tilespmem:s17], [sflag:$0x2], $0x20, s18, s19, $0xb8;
	[tilespmem:$0x1D710] =	vst v63  }
0x173: {  	_ =	swait.ge [sflag:s15], $0x1000  }
0x174: {  	[sflag:s15] =	ssyncset.done $0x0  }
0x175: {  	s23 =	simm.s32 $0x400;
	s11 =	simm.s32 $0x12F00;
	[sflag:s15] =	ssyncadd.s32 $0xFFFFF000  }
0x176: {  	[spmem:s3] =	stream.indirect.scatter.add.f32 [tilespmem:s11], [sflag:$0x2], $0x20, s23, s19, $0xb8;
	[tilespmem:$0x1D710] =	vst v63  }
0x177: {  	_ =	swait.ge [sflag:s15], $0x1000  }
0x178: {  	[sflag:s15] =	ssyncset.done $0x0  }
0x179: {  	s25 =	simm.s32 $0x480;
	s26 =	simm.s32 $0x13F00;
	[sflag:s15] =	ssyncadd.s32 $0xFFFFF000  }
0x17a: {  	[spmem:s3] =	stream.indirect.scatter.add.f32 [tilespmem:s26], [sflag:$0x2], $0x20, s25, s19, $0xb8;
	[tilespmem:$0x1D710] =	vst v63  }
0x17b: {  	_ =	swait.ge [sflag:s15], $0x1000  }
0x17c: {  	[sflag:s15] =	ssyncset.done $0x0  }
0x17d: {  	s22 =	simm.s32 $0x14F00;
	[sflag:s15] =	ssyncadd.s32 $0xFFFFF000  }
0x17e: {  	[spmem:s3] =	stream.indirect.scatter.add.f32 [tilespmem:s22], [sflag:$0x2], $0x20, s30, s19, $0xb8;
	[tilespmem:$0x1D710] =	vst v63  }
0x17f: {  	_ =	swait.ge [sflag:s15], $0x1000  }
0x180: {  	[sflag:s15] =	ssyncset.done $0x0  }
0x181: {  	s26 =	simm.s32 $0x15F00;
	[sflag:s15] =	ssyncadd.s32 $0xFFFFF000  }
0x182: {  	[spmem:s3] =	stream.indirect.scatter.add.f32 [tilespmem:s26], [sflag:$0x2], $0x20, s2, s19, $0xb8;
	[tilespmem:$0x1D710] =	vst v63  }
0x183: {  	_ =	swait.ge [sflag:s15], $0x1000  }
0x184: {  	[sflag:s15] =	ssyncset.done $0x0  }
0x185: {  	s22 =	simm.s32 $0x16F00;
	[sflag:s15] =	ssyncadd.s32 $0xFFFFF000  }
0x186: {  	[spmem:s3] =	stream.indirect.scatter.add.f32 [tilespmem:s22], [sflag:$0x2], $0x20, s10, s19, $0xb8;
	[tilespmem:$0x1D710] =	vst v63  }
0x187: {  	s6 =	sadd.s32 $0x1, s6;
	_ =	swait.ge [sflag:s15], $0x1000  }
0x188: {  	p1 =	sne.s32 s6, $0x1C;
	[sflag:s15] =	ssyncset.done $0x0  }
.Ltmp4:
0x189: {  	s26 =	simm.s32 $0x17F00;
	[sflag:s15] =	ssyncadd.s32 $0xFFFFF000;
	(pc) =	sbr.rel @p1 .LBB2_6-.Ltmp4, $4  }
0x18a: {  	[spmem:s3] =	stream.indirect.scatter.add.f32 [tilespmem:s26], [sflag:$0x2], $0x20, s29, s19, $0xb8;
	[tilespmem:$0x1D710] =	vst v63  }
0x18b: {  	_ =	swait.ge [sflag:s15], $0x1000  }
0x18c: {  	[sflag:s15] =	ssyncset.done $0x0  }
0x18d: {  	[sflag:s15] =	ssyncadd.s32 $0xFFFFF000  }
0x18e: {  	[bflag:$0x0] =	sbarrier.arrive $0xFFFF  }
0x18f: {  	s5 =	sshrl.u32 @!p0 s3, $0x3;
	s6 =	simm.s32 @!p0 $0x1C02;
	s11 =	rddreg [dreg:$0x9]  }
0x190: {  	[hbm:s11], [sflag:s6] =	dma.local @!p0 [spmem:s5], $0x8800  }
0x191: {  	s5 =	simm.s32 @!p0 $0x2  }
0x192: {  	_ =	swait.ge @!p0 [sflag:s5], $0x8800  }
0x193: {  	s22 =	rddreg [dreg:$0xb]  }
0x194: {  	s26 =	rddreg [dreg:$0xa];
	s11 =	sadd.s32 $0x1, s22  }
0x195: {  	p1 =	sne.s32 s11, s26  }
.Ltmp5:
0x196: {  	v1 =	vld [tilespmem:$0x1FFF0];
	(pc) =	sbr.rel @p1 .LBB2_1-.Ltmp5, $3  }
0x197: {  	_ =	sdelay $0x1  }
0x198: {  	[sflag:s5] =	ssyncset.done @!p0 $0x0  }
0x199: {  	v0 =	vimm.f32 $0.0e+00;
	[sflag:s5] =	ssyncadd.s32 @!p0 $0xFFFF7800  }
0x19a: {  	_ =	sfence.sel $0x180000  }
0x19b: {  	[bflag:$0x0] =	sbarrier.arrive $0xFFFF  }
0x19c: {  	_ =	strace $0x90000047  }
0x19d: {  	[bflag:$0x2] =	sbarrier.arrive $0xFFFF  }
0x19e: {  	s0 =	rddreg [dreg:$0x4]  }
0x19f: {  	s0 =	sadd.s32 @!p0 $0x100000, s0  }
0x1a0: {  	[sflag:s0] =	ssyncadd.tile.s32 @!p0 $0x1;
	_ =	shalt  }
.Lfunc_end2:
_tile_overlayer_lowered:
.L_overlay_start_2:
0x1a1: {  	(tag) =	ssettag $0x2  }
0x1a2: {  	s0 =	rddreg [dreg:$0x0];
	s2 =	stileid.u32  }
0x1a3: {  	s1 =	rddreg [dreg:$0x1];
	p0 =	sne.s32 s2, $0x0  }
0x1a4: {  	s3 =	rddreg [dreg:$0x2];
	[bflag:$0x3] =	sbarrier.arrive $0xFFFF;
	s2 =	simm.s32 @!p0 $0x1C02  }
0x1a5: {  	[timem:s3], [sflag:s2] =	dma.local @!p0 [hbm:s0], s1  }
0x1a6: {  	s0 =	simm.s32 @!p0 $0x2  }
0x1a7: {  	_ =	swait.ge @!p0 [sflag:s0], s1  }
0x1a8: {  	s1 =	ssub.s32 @!p0 $0x0, s1;
	[sflag:s0] =	ssyncset.done @!p0 $0x0  }
0x1a9: {  	[sflag:s0] =	ssyncadd.s32 @!p0 s1  }
0x1aa: {  	[bflag:$0x3] =	sbarrier.arrive $0xFFFF  }
0x1ab: {  	_ =	shalt  }

</sc_bundles>
